<compile_context>
chip_gen: v7x
topology: tpu7x:2x2x1
jax: 0.10.2.dev20260603
libtpu: 0.0.44.dev20260713+nightly
codegen_flags: <defaults>
</compile_context>

<pallas_src>
import numpy as np
import jax
import jax.numpy as jnp
from jax import lax
from jax.experimental import pallas as pl
from jax.experimental.pallas import tpu as pltpu
from jax.experimental.pallas import tpu_sc as plsc

_MASSES = np.array([0.0,1.008,4.0026,6.94,9.0122,10.81,12.011,14.007,15.999,18.998,20.18,22.99,24.305,26.982,28.085,30.974,32.06,35.45,39.948,39.098,40.078,44.956,47.867,50.942,51.996,54.938,55.845,58.933,58.693,63.546,65.38,69.723,72.63,74.922,78.971,79.904,83.798,85.468,87.62,88.906,91.224,92.906,95.95,97.907,101.07,102.906,106.42,107.868,112.414,114.818,118.71,121.76,127.6,126.904,131.293,132.905,137.327,138.905,140.116,140.908,144.242,144.913,150.36,151.964,157.25,158.925,162.5,164.93,167.259,168.934,173.054,174.967,178.49,180.948,183.84,186.207,190.23,192.217,195.084,196.967,200.592,204.38,207.2,208.98,208.982,209.987,222.018,223.02,226.025,227.028,232.038,231.036,238.029,237.048,244.064,243.061,247.07,247.07,251.08,252.083], dtype=np.float32)

_B = 16
_NZ = 100
_R = 2048
_L = 16
_NC = 1
_NW = 16 * _NC


def _silu(x):
    t = 0.5 * x
    return t * jnp.tanh(t) + t


def _softplus(x):
    return jnp.maximum(x, 0.0) + jnp.log(1.0 + jnp.exp(-jnp.abs(x)))


def _tc_block(xa_ref, xb_ref, post_ref, z_ref, bseg_ref, w1_ref, b1_ref,
              w2_ref, b2_ref, wo_ref, tab_ref, out_ref):
    def _q0_half(x):
        h = jnp.dot(x, w1_ref[...],
                    preferred_element_type=jnp.float32) + b1_ref[...]
        h = _silu(h)
        h = jnp.dot(h, w2_ref[...],
                    preferred_element_type=jnp.float32) + b2_ref[...]
        h = _silu(h)
        return lax.dot_general(wo_ref[...], x + h, (((1,), (1,)), ((), ())),
                               preferred_element_type=jnp.float32)

    q0t = jnp.concatenate([_q0_half(xa_ref[...]), _q0_half(xb_ref[...])],
                          axis=1)

    post = post_ref[...]
    rows = post.shape[1]
    zt = z_ref[...]
    bt = bseg_ref[...]

    zoh = (zt == lax.broadcasted_iota(jnp.int32, (_NZ, rows), 0)
           ).astype(jnp.float32)
    refz = jnp.dot(tab_ref[...], zoh, preferred_element_type=jnp.float32)
    qt = _softplus(q0t + refz)

    px = post[0:1, :]
    py = post[1:2, :]
    pz = post[2:3, :]
    r2 = px * px + py * py + pz * pz
    ut = jnp.concatenate([post, r2, jnp.ones_like(r2)], axis=0)

    soh = (bt == lax.broadcasted_iota(jnp.int32, (_B, rows), 0)
           ).astype(jnp.float32)
    stats = jnp.concatenate([qt * ut, jnp.ones_like(r2)], axis=0)
    part = lax.dot_general(soh, stats, (((1,), (1,)), ((), ())),
                           preferred_element_type=jnp.float32)

    @pl.when(pl.program_id(0) == 0)
    def _init():
        out_ref[...] = jnp.zeros_like(out_ref)

    out_ref[...] += part


def _sc_stats_body(post_hbm, z_hbm, b_hbm, tab_hbm, out_hbm,
                   px_v, py_v, pz_v, z_v, b_v, tab_v, acc_v, tot_v, sem):
    chunk = px_v.shape[0]
    wid = lax.axis_index("s") * _NC + lax.axis_index("c")
    base = wid * chunk
    copies = [
        pltpu.async_copy(post_hbm.at[0, 0, pl.ds(base, chunk)], px_v, sem),
        pltpu.async_copy(post_hbm.at[1, 0, pl.ds(base, chunk)], py_v, sem),
        pltpu.async_copy(post_hbm.at[2, 0, pl.ds(base, chunk)], pz_v, sem),
        pltpu.async_copy(z_hbm.at[0, pl.ds(base, chunk)], z_v, sem),
        pltpu.async_copy(b_hbm.at[0, pl.ds(base, chunk)], b_v, sem),
        pltpu.async_copy(tab_hbm, tab_v, sem),
    ]

    zeros = jnp.zeros((_L,), jnp.float32)
    for k in range(8):
        for j in range(_L):
            acc_v[k, pl.ds(j * _L, _L)] = zeros

    for c in copies:
        c.wait()

    lane16 = lax.iota(jnp.int32, _L) * _L

    def body(i, carry):
        for s in range(2):
            off = (2 * i + s) * _L
            zv = z_v[pl.ds(off, _L)]
            bv = b_v[pl.ds(off, _L)]
            pxv = px_v[pl.ds(off, _L)]
            pyv = py_v[pl.ds(off, _L)]
            pzv = pz_v[pl.ds(off, _L)]
            m = plsc.load_gather(tab_v, [zv])
            vidx = lane16 + bv
            for k, val in ((0, m), (1, m * pxv), (2, m * pyv),
                           (3, m * pzv)):
                plsc.addupdate_scatter(
                    acc_v, [jnp.full((_L,), 4 * s + k, jnp.int32), vidx],
                    val)
        return carry

    lax.fori_loop(0, chunk // (2 * _L), body, 0)

    for k in range(4):
        tot = acc_v[k, pl.ds(0, _L)] + acc_v[k + 4, pl.ds(0, _L)]
        for j in range(1, _L):
            tot = tot + (acc_v[k, pl.ds(j * _L, _L)]
                         + acc_v[k + 4, pl.ds(j * _L, _L)])
        tot_v[k, :] = tot
    pltpu.sync_copy(tot_v, out_hbm.at[wid])


def _sc_stats(post, zr, br, tab):
    n = post.shape[1]
    chunk = n // _NW
    post = post.reshape(3, 1, n)
    mesh = plsc.VectorSubcoreMesh(core_axis_name="c", subcore_axis_name="s",
                                  num_cores=_NC, num_subcores=16)
    return pl.kernel(
        _sc_stats_body,
        out_type=jax.ShapeDtypeStruct((_NW, 4, _L), jnp.float32),
        mesh=mesh,
        compiler_params=pltpu.CompilerParams(needs_layout_passes=False),
        scratch_types=[
            pltpu.VMEM((chunk,), jnp.float32),
            pltpu.VMEM((chunk,), jnp.float32),
            pltpu.VMEM((chunk,), jnp.float32),
            pltpu.VMEM((chunk,), jnp.int32),
            pltpu.VMEM((chunk,), jnp.int32),
            pltpu.VMEM((128,), jnp.float32),
            pltpu.VMEM((8, _L * _L), jnp.float32),
            pltpu.VMEM((4, _L), jnp.float32),
            pltpu.SemaphoreType.DMA,
        ],
    )(post, zr, br, tab)


def kernel(kemb, pos, z, batch_index, W1, b1, W2, b2, W_out, ref_table):
    n, h = kemb.shape
    post = pos.T
    zr = z.astype(jnp.int32).reshape(1, n)
    br = batch_index.astype(jnp.int32).reshape(1, n)
    ref0 = ref_table.at[0].set(0.0)
    mass_tab = jnp.pad(jnp.asarray(_MASSES), (0, 28))

    sc_part = _sc_stats(post, zr, br, mass_tab)

    tsums = pl.pallas_call(
        _tc_block,
        grid=(n // _R,),
        in_specs=[
            pl.BlockSpec((_R // 2, h), lambda i: (2 * i, 0)),
            pl.BlockSpec((_R // 2, h), lambda i: (2 * i + 1, 0)),
            pl.BlockSpec((3, _R), lambda i: (0, i)),
            pl.BlockSpec((1, _R), lambda i: (0, i)),
            pl.BlockSpec((1, _R), lambda i: (0, i)),
            pl.BlockSpec((h, h), lambda i: (0, 0)),
            pl.BlockSpec((1, h), lambda i: (0, 0)),
            pl.BlockSpec((h, h), lambda i: (0, 0)),
            pl.BlockSpec((1, h), lambda i: (0, 0)),
            pl.BlockSpec((1, h), lambda i: (0, 0)),
            pl.BlockSpec((1, _NZ), lambda i: (0, 0)),
        ],
        out_specs=pl.BlockSpec((_B, 6), lambda i: (0, 0)),
        out_shape=jax.ShapeDtypeStruct((_B, 6), jnp.float32),
        compiler_params=pltpu.CompilerParams(
            dimension_semantics=("arbitrary",)),
    )(kemb, kemb, post, zr, br, W1, b1[None, :], W2, b2[None, :],
      W_out.T, ref0.T)

    sc = jnp.sum(sc_part, axis=0)
    s0 = sc[0]
    s1 = sc[1:4]
    t1 = tsums[:, 0:3]
    t2 = tsums[:, 3]
    t0 = tsums[:, 4]
    cnt = tsums[:, 5]
    com = s1 / s0
    res = (t2 - 2.0 * jnp.sum(com.T * t1, axis=1)
           + jnp.sum(com * com, axis=0) * t0)
    return jnp.where(cnt > 0, res, 0.0)

# --- scband reference (transcript-rebuilt; emitter-appended) ---
"""Pipeline reference for scband-elc-output-block-67534065762913 (READ-ONLY COPY).

The authoritative reference and input builder live on the scoring server;
editing this copy changes nothing except your own understanding.
"""

import jax, jax.numpy as jnp
import numpy as np

ATOMIC_MASSES = np.array([0.0,1.008,4.0026,6.94,9.0122,10.81,12.011,14.007,15.999,18.998,20.18,22.99,24.305,26.982,28.085,30.974,32.06,35.45,39.948,39.098,40.078,44.956,47.867,50.942,51.996,54.938,55.845,58.933,58.693,63.546,65.38,69.723,72.63,74.922,78.971,79.904,83.798,85.468,87.62,88.906,91.224,92.906,95.95,97.907,101.07,102.906,106.42,107.868,112.414,114.818,118.71,121.76,127.6,126.904,131.293,132.905,137.327,138.905,140.116,140.908,144.242,144.913,150.36,151.964,157.25,158.925,162.5,164.93,167.259,168.934,173.054,174.967,178.49,180.948,183.84,186.207,190.23,192.217,195.084,196.967,200.592,204.38,207.2,208.98,208.982,209.987,222.018,223.02,226.025,227.028,232.038,231.036,238.029,237.048,244.064,243.061,247.07,247.07,251.08,252.083], dtype=np.float32)

N, H, B = 32768, 512, 16

def setup_inputs(seed: int = 0):
    key = jax.random.key(seed)
    ks = jax.random.split(key, 9)
    kemb = jax.random.normal(ks[0], (N, H), dtype=jnp.float32)
    pos = jax.random.normal(ks[1], (N, 3), dtype=jnp.float32)
    z = jax.random.randint(ks[2], (N,), 0, 100)
    batch_index = jnp.sort(jax.random.randint(ks[3], (N,), 0, B))
    s = 1.0 / np.sqrt(H)
    W1 = jax.random.normal(ks[4], (H, H), dtype=jnp.float32) * s
    b1 = jnp.zeros((H,), dtype=jnp.float32)
    W2 = jax.random.normal(ks[5], (H, H), dtype=jnp.float32) * s
    b2 = jnp.zeros((H,), dtype=jnp.float32)
    W_out = jax.random.normal(ks[6], (H, 1), dtype=jnp.float32) * s
    ref_table = jax.random.normal(ks[7], (100, 1), dtype=jnp.float32) * 0.01
    return {"kemb": kemb, "pos": pos, "z": z, "batch_index": batch_index, "W1": W1, "b1": b1, "W2": W2, "b2": b2, "W_out": W_out, "ref_table": ref_table}

def reference(kemb, pos, z, batch_index, W1, b1, W2, b2, W_out, ref_table):
    # Residual(mlp_num=2): x + act(Linear(act(Linear(x))))
    h = jax.nn.silu(kemb @ W1 + b1)
    h = jax.nn.silu(h @ W2 + b2)
    res = kemb + h
    q = (res @ W_out)[:, 0]
    # atom_ref embedding with padding_idx=0
    ref = ref_table.at[0].set(0.0)
    q = q + ref[z][:, 0]
    q = jax.nn.softplus(q)
    mass = jnp.asarray(ATOMIC_MASSES)[z][:, None]
    ones = jnp.ones((pos.shape[0],), dtype=pos.dtype)
    counts = jnp.maximum(jax.ops.segment_sum(ones, batch_index, num_segments=B), 1.0)
    pos_mean = jax.ops.segment_sum(pos, batch_index, num_segments=B) / counts[:, None]
    pos_c = pos - pos_mean[batch_index]
    full_mass = jax.ops.segment_sum(mass, batch_index, num_segments=B)
    center = jax.ops.segment_sum(mass * pos_c, batch_index, num_segments=B) / full_mass
    centered_pos = pos_c - center[batch_index]
    pos_powersum = jnp.sum(jnp.square(centered_pos), axis=-1)
    output = jax.ops.segment_sum(q * pos_powersum, batch_index, num_segments=B)
    return output

if __name__ == "__main__":
    import jax
    _d = setup_inputs()
    print(jax.jit(kernel)(*tuple(_d.values())))

</pallas_src>

<mosaic_0001>
#map = affine_map<(d0, d1) -> (0, 0, 0)>
#map1 = affine_map<(d0, d1) -> (0, 0)>
#map2 = affine_map<(d0, d1) -> (0)>
module attributes {stable_mosaic.version = 14 : i64} {
  func.func @_sc_stats_body(%arg0: i32, %arg1: i32, %arg2: memref<3x1x32768xf32, #tpu.memory_space<hbm>>, %arg3: memref<1x32768xi32, #tpu.memory_space<hbm>>, %arg4: memref<1x32768xi32, #tpu.memory_space<hbm>>, %arg5: memref<128xf32, #tpu.memory_space<hbm>>, %arg6: memref<16x4x16xf32, #tpu.memory_space<hbm>>, %arg7: memref<2048xf32, #tpu.memory_space<vmem>>, %arg8: memref<2048xf32, #tpu.memory_space<vmem>>, %arg9: memref<2048xf32, #tpu.memory_space<vmem>>, %arg10: memref<2048xi32, #tpu.memory_space<vmem>>, %arg11: memref<2048xi32, #tpu.memory_space<vmem>>, %arg12: memref<128xf32, #tpu.memory_space<vmem>>, %arg13: memref<8x256xf32, #tpu.memory_space<vmem>>, %arg14: memref<4x16xf32, #tpu.memory_space<vmem>>, %arg15: memref<!tpu.dma_semaphore, #tpu.memory_space<semaphore_mem>>) attributes {dimension_semantics = [#tpu.dimension_semantics<core_parallel>, #tpu.dimension_semantics<subcore_parallel>], iteration_bounds = array<i64: 1, 16>, scalar_prefetch = 0 : i64, scratch_operands = 9 : i64, tpu.core_type = #tpu.core_type<sc_vector_subcore>, window_params = [{transform_indices = #map}, {transform_indices = #map1}, {transform_indices = #map1}, {transform_indices = #map2}, {transform_indices = #map}]} {
    %mul3A = arith.constant 1 : i32
    %mul3A_0 = arith.muli %arg1, %mul3A : i32
    %add3A = arith.addi %mul3A_0, %arg0 : i32
    %mul3A_1 = arith.constant 2048 : i32
    %mul3A_2 = arith.muli %add3A, %mul3A_1 : i32
    %dma_start3A = arith.constant 0 : i32
    %dma_start3A_3 = arith.constant 0 : i32
    %dma_start3A_4 = tpu.memref_slice %arg2[%dma_start3A, %dma_start3A_3, %mul3A_2] : memref<3x1x32768xf32, #tpu.memory_space<hbm>> -> memref<1x1x2048xf32, #tpu.memory_space<hbm>>
    %dma_start3A_5 = tpu.memref_squeeze %dma_start3A_4 : memref<1x1x2048xf32, #tpu.memory_space<hbm>> -> memref<2048xf32, #tpu.memory_space<hbm>>
    %dma_start3A_6 = tpu.memref_slice %arg2[%dma_start3A, %dma_start3A_3, %mul3A_2] : memref<3x1x32768xf32, #tpu.memory_space<hbm>> -> memref<1x1x2048xf32, #tpu.memory_space<hbm>>
    %dma_start3A_7 = tpu.memref_squeeze %dma_start3A_6 : memref<1x1x2048xf32, #tpu.memory_space<hbm>> -> memref<2048xf32, #tpu.memory_space<hbm>>
    tpu.enqueue_dma source(%dma_start3A_7 : memref<2048xf32, #tpu.memory_space<hbm>>) target(%arg7 : memref<2048xf32, #tpu.memory_space<vmem>>) target_semaphore(%arg15 : memref<!tpu.dma_semaphore, #tpu.memory_space<semaphore_mem>>)
    %dma_start3A_8 = arith.constant 1 : i32
    %dma_start3A_9 = arith.constant 0 : i32
    %dma_start3A_10 = tpu.memref_slice %arg2[%dma_start3A_8, %dma_start3A_9, %mul3A_2] : memref<3x1x32768xf32, #tpu.memory_space<hbm>> -> memref<1x1x2048xf32, #tpu.memory_space<hbm>>
    %dma_start3A_11 = tpu.memref_squeeze %dma_start3A_10 : memref<1x1x2048xf32, #tpu.memory_space<hbm>> -> memref<2048xf32, #tpu.memory_space<hbm>>
    %dma_start3A_12 = tpu.memref_slice %arg2[%dma_start3A_8, %dma_start3A_9, %mul3A_2] : memref<3x1x32768xf32, #tpu.memory_space<hbm>> -> memref<1x1x2048xf32, #tpu.memory_space<hbm>>
    %dma_start3A_13 = tpu.memref_squeeze %dma_start3A_12 : memref<1x1x2048xf32, #tpu.memory_space<hbm>> -> memref<2048xf32, #tpu.memory_space<hbm>>
    tpu.enqueue_dma source(%dma_start3A_13 : memref<2048xf32, #tpu.memory_space<hbm>>) target(%arg8 : memref<2048xf32, #tpu.memory_space<vmem>>) target_semaphore(%arg15 : memref<!tpu.dma_semaphore, #tpu.memory_space<semaphore_mem>>)
    %dma_start3A_14 = arith.constant 2 : i32
    %dma_start3A_15 = arith.constant 0 : i32
    %dma_start3A_16 = tpu.memref_slice %arg2[%dma_start3A_14, %dma_start3A_15, %mul3A_2] : memref<3x1x32768xf32, #tpu.memory_space<hbm>> -> memref<1x1x2048xf32, #tpu.memory_space<hbm>>
    %dma_start3A_17 = tpu.memref_squeeze %dma_start3A_16 : memref<1x1x2048xf32, #tpu.memory_space<hbm>> -> memref<2048xf32, #tpu.memory_space<hbm>>
    %dma_start3A_18 = tpu.memref_slice %arg2[%dma_start3A_14, %dma_start3A_15, %mul3A_2] : memref<3x1x32768xf32, #tpu.memory_space<hbm>> -> memref<1x1x2048xf32, #tpu.memory_space<hbm>>
    %dma_start3A_19 = tpu.memref_squeeze %dma_start3A_18 : memref<1x1x2048xf32, #tpu.memory_space<hbm>> -> memref<2048xf32, #tpu.memory_space<hbm>>
    tpu.enqueue_dma source(%dma_start3A_19 : memref<2048xf32, #tpu.memory_space<hbm>>) target(%arg9 : memref<2048xf32, #tpu.memory_space<vmem>>) target_semaphore(%arg15 : memref<!tpu.dma_semaphore, #tpu.memory_space<semaphore_mem>>)
    %dma_start3A_20 = arith.constant 0 : i32
    %dma_start3A_21 = tpu.memref_slice %arg3[%dma_start3A_20, %mul3A_2] : memref<1x32768xi32, #tpu.memory_space<hbm>> -> memref<1x2048xi32, #tpu.memory_space<hbm>>
    %dma_start3A_22 = tpu.memref_squeeze %dma_start3A_21 : memref<1x2048xi32, #tpu.memory_space<hbm>> -> memref<2048xi32, #tpu.memory_space<hbm>>
    %dma_start3A_23 = tpu.memref_slice %arg3[%dma_start3A_20, %mul3A_2] : memref<1x32768xi32, #tpu.memory_space<hbm>> -> memref<1x2048xi32, #tpu.memory_space<hbm>>
    %dma_start3A_24 = tpu.memref_squeeze %dma_start3A_23 : memref<1x2048xi32, #tpu.memory_space<hbm>> -> memref<2048xi32, #tpu.memory_space<hbm>>
    tpu.enqueue_dma source(%dma_start3A_24 : memref<2048xi32, #tpu.memory_space<hbm>>) target(%arg10 : memref<2048xi32, #tpu.memory_space<vmem>>) target_semaphore(%arg15 : memref<!tpu.dma_semaphore, #tpu.memory_space<semaphore_mem>>)
    %dma_start3A_25 = arith.constant 0 : i32
    %dma_start3A_26 = tpu.memref_slice %arg4[%dma_start3A_25, %mul3A_2] : memref<1x32768xi32, #tpu.memory_space<hbm>> -> memref<1x2048xi32, #tpu.memory_space<hbm>>
    %dma_start3A_27 = tpu.memref_squeeze %dma_start3A_26 : memref<1x2048xi32, #tpu.memory_space<hbm>> -> memref<2048xi32, #tpu.memory_space<hbm>>
    %dma_start3A_28 = tpu.memref_slice %arg4[%dma_start3A_25, %mul3A_2] : memref<1x32768xi32, #tpu.memory_space<hbm>> -> memref<1x2048xi32, #tpu.memory_space<hbm>>
    %dma_start3A_29 = tpu.memref_squeeze %dma_start3A_28 : memref<1x2048xi32, #tpu.memory_space<hbm>> -> memref<2048xi32, #tpu.memory_space<hbm>>
    tpu.enqueue_dma source(%dma_start3A_29 : memref<2048xi32, #tpu.memory_space<hbm>>) target(%arg11 : memref<2048xi32, #tpu.memory_space<vmem>>) target_semaphore(%arg15 : memref<!tpu.dma_semaphore, #tpu.memory_space<semaphore_mem>>)
    tpu.enqueue_dma source(%arg5 : memref<128xf32, #tpu.memory_space<hbm>>) target(%arg12 : memref<128xf32, #tpu.memory_space<vmem>>) target_semaphore(%arg15 : memref<!tpu.dma_semaphore, #tpu.memory_space<semaphore_mem>>)
    %broadcast_in_dim3A = arith.constant 0.000000e+00 : f32
    %broadcast_in_dim3A_30 = vector.broadcast %broadcast_in_dim3A : f32 to vector<16xf32>
    %swap3A = arith.constant 0 : i32
    %swap3A_31 = arith.index_cast %swap3A : i32 to index
    %swap3A_32 = arith.constant 0 : index
    %swap3A_33 = tpu.vector_load %arg13[%swap3A_31, %swap3A_32] {strides = array<i32>} : memref<8x256xf32, #tpu.memory_space<vmem>>, vector<16xf32>,
    tpu.vector_store %arg13[%swap3A_31, %swap3A_32], %broadcast_in_dim3A_30 {strides = array<i32>} : memref<8x256xf32, #tpu.memory_space<vmem>>, vector<16xf32>,
    %swap3A_34 = arith.constant 0 : i32
    %swap3A_35 = arith.index_cast %swap3A_34 : i32 to index
    %swap3A_36 = arith.constant 16 : index
    %swap3A_37 = tpu.vector_load %arg13[%swap3A_35, %swap3A_36] {strides = array<i32>} : memref<8x256xf32, #tpu.memory_space<vmem>>, vector<16xf32>,
    tpu.vector_store %arg13[%swap3A_35, %swap3A_36], %broadcast_in_dim3A_30 {strides = array<i32>} : memref<8x256xf32, #tpu.memory_space<vmem>>, vector<16xf32>,
    %swap3A_38 = arith.constant 0 : i32
    %swap3A_39 = arith.index_cast %swap3A_38 : i32 to index
    %swap3A_40 = arith.constant 32 : index
    %swap3A_41 = tpu.vector_load %arg13[%swap3A_39, %swap3A_40] {strides = array<i32>} : memref<8x256xf32, #tpu.memory_space<vmem>>, vector<16xf32>,
    tpu.vector_store %arg13[%swap3A_39, %swap3A_40], %broadcast_in_dim3A_30 {strides = array<i32>} : memref<8x256xf32, #tpu.memory_space<vmem>>, vector<16xf32>,
    %swap3A_42 = arith.constant 0 : i32
    %swap3A_43 = arith.index_cast %swap3A_42 : i32 to index
    %swap3A_44 = arith.constant 48 : index
    %swap3A_45 = tpu.vector_load %arg13[%swap3A_43, %swap3A_44] {strides = array<i32>} : memref<8x256xf32, #tpu.memory_space<vmem>>, vector<16xf32>,
    tpu.vector_store %arg13[%swap3A_43, %swap3A_44], %broadcast_in_dim3A_30 {strides = array<i32>} : memref<8x256xf32, #tpu.memory_space<vmem>>, vector<16xf32>,
    %swap3A_46 = arith.constant 0 : i32
    %swap3A_47 = arith.index_cast %swap3A_46 : i32 to index
    %swap3A_48 = arith.constant 64 : index
    %swap3A_49 = tpu.vector_load %arg13[%swap3A_47, %swap3A_48] {strides = array<i32>} : memref<8x256xf32, #tpu.memory_space<vmem>>, vector<16xf32>,
    tpu.vector_store %arg13[%swap3A_47, %swap3A_48], %broadcast_in_dim3A_30 {strides = array<i32>} : memref<8x256xf32, #tpu.memory_space<vmem>>, vector<16xf32>,
    %swap3A_50 = arith.constant 0 : i32
    %swap3A_51 = arith.index_cast %swap3A_50 : i32 to index
    %swap3A_52 = arith.constant 80 : index
    %swap3A_53 = tpu.vector_load %arg13[%swap3A_51, %swap3A_52] {strides = array<i32>} : memref<8x256xf32, #tpu.memory_space<vmem>>, vector<16xf32>,
    tpu.vector_store %arg13[%swap3A_51, %swap3A_52], %broadcast_in_dim3A_30 {strides = array<i32>} : memref<8x256xf32, #tpu.memory_space<vmem>>, vector<16xf32>,
    %swap3A_54 = arith.constant 0 : i32
    %swap3A_55 = arith.index_cast %swap3A_54 : i32 to index
    %swap3A_56 = arith.constant 96 : index
    %swap3A_57 = tpu.vector_load %arg13[%swap3A_55, %swap3A_56] {strides = array<i32>} : memref<8x256xf32, #tpu.memory_space<vmem>>, vector<16xf32>,
    tpu.vector_store %arg13[%swap3A_55, %swap3A_56], %broadcast_in_dim3A_30 {strides = array<i32>} : memref<8x256xf32, #tpu.memory_space<vmem>>, vector<16xf32>,
    %swap3A_58 = arith.constant 0 : i32
    %swap3A_59 = arith.index_cast %swap3A_58 : i32 to index
    %swap3A_60 = arith.constant 112 : index
    %swap3A_61 = tpu.vector_load %arg13[%swap3A_59, %swap3A_60] {strides = array<i32>} : memref<8x256xf32, #tpu.memory_space<vmem>>, vector<16xf32>,
    tpu.vector_store %arg13[%swap3A_59, %swap3A_60], %broadcast_in_dim3A_30 {strides = array<i32>} : memref<8x256xf32, #tpu.memory_space<vmem>>, vector<16xf32>,
    %swap3A_62 = arith.constant 0 : i32
    %swap3A_63 = arith.index_cast %swap3A_62 : i32 to index
    %swap3A_64 = arith.constant 128 : index
    %swap3A_65 = tpu.vector_load %arg13[%swap3A_63, %swap3A_64] {strides = array<i32>} : memref<8x256xf32, #tpu.memory_space<vmem>>, vector<16xf32>,
    tpu.vector_store %arg13[%swap3A_63, %swap3A_64], %broadcast_in_dim3A_30 {strides = array<i32>} : memref<8x256xf32, #tpu.memory_space<vmem>>, vector<16xf32>,
    %swap3A_66 = arith.constant 0 : i32
    %swap3A_67 = arith.index_cast %swap3A_66 : i32 to index
    %swap3A_68 = arith.constant 144 : index
    %swap3A_69 = tpu.vector_load %arg13[%swap3A_67, %swap3A_68] {strides = array<i32>} : memref<8x256xf32, #tpu.memory_space<vmem>>, vector<16xf32>,
    tpu.vector_store %arg13[%swap3A_67, %swap3A_68], %broadcast_in_dim3A_30 {strides = array<i32>} : memref<8x256xf32, #tpu.memory_space<vmem>>, vector<16xf32>,
    %swap3A_70 = arith.constant 0 : i32
    %swap3A_71 = arith.index_cast %swap3A_70 : i32 to index
    %swap3A_72 = arith.constant 160 : index
    %swap3A_73 = tpu.vector_load %arg13[%swap3A_71, %swap3A_72] {strides = array<i32>} : memref<8x256xf32, #tpu.memory_space<vmem>>, vector<16xf32>,
    tpu.vector_store %arg13[%swap3A_71, %swap3A_72], %broadcast_in_dim3A_30 {strides = array<i32>} : memref<8x256xf32, #tpu.memory_space<vmem>>, vector<16xf32>,
    %swap3A_74 = arith.constant 0 : i32
    %swap3A_75 = arith.index_cast %swap3A_74 : i32 to index
    %swap3A_76 = arith.constant 176 : index
    %swap3A_77 = tpu.vector_load %arg13[%swap3A_75, %swap3A_76] {strides = array<i32>} : memref<8x256xf32, #tpu.memory_space<vmem>>, vector<16xf32>,
    tpu.vector_store %arg13[%swap3A_75, %swap3A_76], %broadcast_in_dim3A_30 {strides = array<i32>} : memref<8x256xf32, #tpu.memory_space<vmem>>, vector<16xf32>,
    %swap3A_78 = arith.constant 0 : i32
    %swap3A_79 = arith.index_cast %swap3A_78 : i32 to index
    %swap3A_80 = arith.constant 192 : index
    %swap3A_81 = tpu.vector_load %arg13[%swap3A_79, %swap3A_80] {strides = array<i32>} : memref<8x256xf32, #tpu.memory_space<vmem>>, vector<16xf32>,
    tpu.vector_store %arg13[%swap3A_79, %swap3A_80], %broadcast_in_dim3A_30 {strides = array<i32>} : memref<8x256xf32, #tpu.memory_space<vmem>>, vector<16xf32>,
    %swap3A_82 = arith.constant 0 : i32
    %swap3A_83 = arith.index_cast %swap3A_82 : i32 to index
    %swap3A_84 = arith.constant 208 : index
    %swap3A_85 = tpu.vector_load %arg13[%swap3A_83, %swap3A_84] {strides = array<i32>} : memref<8x256xf32, #tpu.memory_space<vmem>>, vector<16xf32>,
    tpu.vector_store %arg13[%swap3A_83, %swap3A_84], %broadcast_in_dim3A_30 {strides = array<i32>} : memref<8x256xf32, #tpu.memory_space<vmem>>, vector<16xf32>,
    %swap3A_86 = arith.constant 0 : i32
    %swap3A_87 = arith.index_cast %swap3A_86 : i32 to index
    %swap3A_88 = arith.constant 224 : index
    %swap3A_89 = tpu.vector_load %arg13[%swap3A_87, %swap3A_88] {strides = array<i32>} : memref<8x256xf32, #tpu.memory_space<vmem>>, vector<16xf32>,
    tpu.vector_store %arg13[%swap3A_87, %swap3A_88], %broadcast_in_dim3A_30 {strides = array<i32>} : memref<8x256xf32, #tpu.memory_space<vmem>>, vector<16xf32>,
    %swap3A_90 = arith.constant 0 : i32
    %swap3A_91 = arith.index_cast %swap3A_90 : i32 to index
    %swap3A_92 = arith.constant 240 : index
    %swap3A_93 = tpu.vector_load %arg13[%swap3A_91, %swap3A_92] {strides = array<i32>} : memref<8x256xf32, #tpu.memory_space<vmem>>, vector<16xf32>,
    tpu.vector_store %arg13[%swap3A_91, %swap3A_92], %broadcast_in_dim3A_30 {strides = array<i32>} : memref<8x256xf32, #tpu.memory_space<vmem>>, vector<16xf32>,
    %swap3A_94 = arith.constant 1 : i32
    %swap3A_95 = arith.index_cast %swap3A_94 : i32 to index
    %swap3A_96 = arith.constant 0 : index
    %swap3A_97 = tpu.vector_load %arg13[%swap3A_95, %swap3A_96] {strides = array<i32>} : memref<8x256xf32, #tpu.memory_space<vmem>>, vector<16xf32>,
    tpu.vector_store %arg13[%swap3A_95, %swap3A_96], %broadcast_in_dim3A_30 {strides = array<i32>} : memref<8x256xf32, #tpu.memory_space<vmem>>, vector<16xf32>,
    %swap3A_98 = arith.constant 1 : i32
    %swap3A_99 = arith.index_cast %swap3A_98 : i32 to index
    %swap3A_100 = arith.constant 16 : index
    %swap3A_101 = tpu.vector_load %arg13[%swap3A_99, %swap3A_100] {strides = array<i32>} : memref<8x256xf32, #tpu.memory_space<vmem>>, vector<16xf32>,
    tpu.vector_store %arg13[%swap3A_99, %swap3A_100], %broadcast_in_dim3A_30 {strides = array<i32>} : memref<8x256xf32, #tpu.memory_space<vmem>>, vector<16xf32>,
    %swap3A_102 = arith.constant 1 : i32
    %swap3A_103 = arith.index_cast %swap3A_102 : i32 to index
    %swap3A_104 = arith.constant 32 : index
    %swap3A_105 = tpu.vector_load %arg13[%swap3A_103, %swap3A_104] {strides = array<i32>} : memref<8x256xf32, #tpu.memory_space<vmem>>, vector<16xf32>,
    tpu.vector_store %arg13[%swap3A_103, %swap3A_104], %broadcast_in_dim3A_30 {strides = array<i32>} : memref<8x256xf32, #tpu.memory_space<vmem>>, vector<16xf32>,
    %swap3A_106 = arith.constant 1 : i32
    %swap3A_107 = arith.index_cast %swap3A_106 : i32 to index
    %swap3A_108 = arith.constant 48 : index
    %swap3A_109 = tpu.vector_load %arg13[%swap3A_107, %swap3A_108] {strides = array<i32>} : memref<8x256xf32, #tpu.memory_space<vmem>>, vector<16xf32>,
    tpu.vector_store %arg13[%swap3A_107, %swap3A_108], %broadcast_in_dim3A_30 {strides = array<i32>} : memref<8x256xf32, #tpu.memory_space<vmem>>, vector<16xf32>,
    %swap3A_110 = arith.constant 1 : i32
    %swap3A_111 = arith.index_cast %swap3A_110 : i32 to index
    %swap3A_112 = arith.constant 64 : index
    %swap3A_113 = tpu.vector_load %arg13[%swap3A_111, %swap3A_112] {strides = array<i32>} : memref<8x256xf32, #tpu.memory_space<vmem>>, vector<16xf32>,
    tpu.vector_store %arg13[%swap3A_111, %swap3A_112], %broadcast_in_dim3A_30 {strides = array<i32>} : memref<8x256xf32, #tpu.memory_space<vmem>>, vector<16xf32>,
    %swap3A_114 = arith.constant 1 : i32
    %swap3A_115 = arith.index_cast %swap3A_114 : i32 to index
    %swap3A_116 = arith.constant 80 : index
    %swap3A_117 = tpu.vector_load %arg13[%swap3A_115, %swap3A_116] {strides = array<i32>} : memref<8x256xf32, #tpu.memory_space<vmem>>, vector<16xf32>,
    tpu.vector_store %arg13[%swap3A_115, %swap3A_116], %broadcast_in_dim3A_30 {strides = array<i32>} : memref<8x256xf32, #tpu.memory_space<vmem>>, vector<16xf32>,
    %swap3A_118 = arith.constant 1 : i32
    %swap3A_119 = arith.index_cast %swap3A_118 : i32 to index
    %swap3A_120 = arith.constant 96 : index
    %swap3A_121 = tpu.vector_load %arg13[%swap3A_119, %swap3A_120] {strides = array<i32>} : memref<8x256xf32, #tpu.memory_space<vmem>>, vector<16xf32>,
    tpu.vector_store %arg13[%swap3A_119, %swap3A_120], %broadcast_in_dim3A_30 {strides = array<i32>} : memref<8x256xf32, #tpu.memory_space<vmem>>, vector<16xf32>,
    %swap3A_122 = arith.constant 1 : i32
    %swap3A_123 = arith.index_cast %swap3A_122 : i32 to index
    %swap3A_124 = arith.constant 112 : index
    %swap3A_125 = tpu.vector_load %arg13[%swap3A_123, %swap3A_124] {strides = array<i32>} : memref<8x256xf32, #tpu.memory_space<vmem>>, vector<16xf32>,
    tpu.vector_store %arg13[%swap3A_123, %swap3A_124], %broadcast_in_dim3A_30 {strides = array<i32>} : memref<8x256xf32, #tpu.memory_space<vmem>>, vector<16xf32>,
    %swap3A_126 = arith.constant 1 : i32
    %swap3A_127 = arith.index_cast %swap3A_126 : i32 to index
    %swap3A_128 = arith.constant 128 : index
    %swap3A_129 = tpu.vector_load %arg13[%swap3A_127, %swap3A_128] {strides = array<i32>} : memref<8x256xf32, #tpu.memory_space<vmem>>, vector<16xf32>,
    tpu.vector_store %arg13[%swap3A_127, %swap3A_128], %broadcast_in_dim3A_30 {strides = array<i32>} : memref<8x256xf32, #tpu.memory_space<vmem>>, vector<16xf32>,
    %swap3A_130 = arith.constant 1 : i32
    %swap3A_131 = arith.index_cast %swap3A_130 : i32 to index
    %swap3A_132 = arith.constant 144 : index
    %swap3A_133 = tpu.vector_load %arg13[%swap3A_131, %swap3A_132] {strides = array<i32>} : memref<8x256xf32, #tpu.memory_space<vmem>>, vector<16xf32>,
    tpu.vector_store %arg13[%swap3A_131, %swap3A_132], %broadcast_in_dim3A_30 {strides = array<i32>} : memref<8x256xf32, #tpu.memory_space<vmem>>, vector<16xf32>,
    %swap3A_134 = arith.constant 1 : i32
    %swap3A_135 = arith.index_cast %swap3A_134 : i32 to index
    %swap3A_136 = arith.constant 160 : index
    %swap3A_137 = tpu.vector_load %arg13[%swap3A_135, %swap3A_136] {strides = array<i32>} : memref<8x256xf32, #tpu.memory_space<vmem>>, vector<16xf32>,
    tpu.vector_store %arg13[%swap3A_135, %swap3A_136], %broadcast_in_dim3A_30 {strides = array<i32>} : memref<8x256xf32, #tpu.memory_space<vmem>>, vector<16xf32>,
    %swap3A_138 = arith.constant 1 : i32
    %swap3A_139 = arith.index_cast %swap3A_138 : i32 to index
    %swap3A_140 = arith.constant 176 : index
    %swap3A_141 = tpu.vector_load %arg13[%swap3A_139, %swap3A_140] {strides = array<i32>} : memref<8x256xf32, #tpu.memory_space<vmem>>, vector<16xf32>,
    tpu.vector_store %arg13[%swap3A_139, %swap3A_140], %broadcast_in_dim3A_30 {strides = array<i32>} : memref<8x256xf32, #tpu.memory_space<vmem>>, vector<16xf32>,
    %swap3A_142 = arith.constant 1 : i32
    %swap3A_143 = arith.index_cast %swap3A_142 : i32 to index
    %swap3A_144 = arith.constant 192 : index
    %swap3A_145 = tpu.vector_load %arg13[%swap3A_143, %swap3A_144] {strides = array<i32>} : memref<8x256xf32, #tpu.memory_space<vmem>>, vector<16xf32>,
    tpu.vector_store %arg13[%swap3A_143, %swap3A_144], %broadcast_in_dim3A_30 {strides = array<i32>} : memref<8x256xf32, #tpu.memory_space<vmem>>, vector<16xf32>,
    %swap3A_146 = arith.constant 1 : i32
    %swap3A_147 = arith.index_cast %swap3A_146 : i32 to index
    %swap3A_148 = arith.constant 208 : index
    %swap3A_149 = tpu.vector_load %arg13[%swap3A_147, %swap3A_148] {strides = array<i32>} : memref<8x256xf32, #tpu.memory_space<vmem>>, vector<16xf32>,
    tpu.vector_store %arg13[%swap3A_147, %swap3A_148], %broadcast_in_dim3A_30 {strides = array<i32>} : memref<8x256xf32, #tpu.memory_space<vmem>>, vector<16xf32>,
    %swap3A_150 = arith.constant 1 : i32
    %swap3A_151 = arith.index_cast %swap3A_150 : i32 to index
    %swap3A_152 = arith.constant 224 : index
    %swap3A_153 = tpu.vector_load %arg13[%swap3A_151, %swap3A_152] {strides = array<i32>} : memref<8x256xf32, #tpu.memory_space<vmem>>, vector<16xf32>,
    tpu.vector_store %arg13[%swap3A_151, %swap3A_152], %broadcast_in_dim3A_30 {strides = array<i32>} : memref<8x256xf32, #tpu.memory_space<vmem>>, vector<16xf32>,
    %swap3A_154 = arith.constant 1 : i32
    %swap3A_155 = arith.index_cast %swap3A_154 : i32 to index
    %swap3A_156 = arith.constant 240 : index
    %swap3A_157 = tpu.vector_load %arg13[%swap3A_155, %swap3A_156] {strides = array<i32>} : memref<8x256xf32, #tpu.memory_space<vmem>>, vector<16xf32>,
    tpu.vector_store %arg13[%swap3A_155, %swap3A_156], %broadcast_in_dim3A_30 {strides = array<i32>} : memref<8x256xf32, #tpu.memory_space<vmem>>, vector<16xf32>,
    %swap3A_158 = arith.constant 2 : i32
    %swap3A_159 = arith.index_cast %swap3A_158 : i32 to index
    %swap3A_160 = arith.constant 0 : index
    %swap3A_161 = tpu.vector_load %arg13[%swap3A_159, %swap3A_160] {strides = array<i32>} : memref<8x256xf32, #tpu.memory_space<vmem>>, vector<16xf32>,
    tpu.vector_store %arg13[%swap3A_159, %swap3A_160], %broadcast_in_dim3A_30 {strides = array<i32>} : memref<8x256xf32, #tpu.memory_space<vmem>>, vector<16xf32>,
    %swap3A_162 = arith.constant 2 : i32
    %swap3A_163 = arith.index_cast %swap3A_162 : i32 to index
    %swap3A_164 = arith.constant 16 : index
    %swap3A_165 = tpu.vector_load %arg13[%swap3A_163, %swap3A_164] {strides = array<i32>} : memref<8x256xf32, #tpu.memory_space<vmem>>, vector<16xf32>,
    tpu.vector_store %arg13[%swap3A_163, %swap3A_164], %broadcast_in_dim3A_30 {strides = array<i32>} : memref<8x256xf32, #tpu.memory_space<vmem>>, vector<16xf32>,
    %swap3A_166 = arith.constant 2 : i32
    %swap3A_167 = arith.index_cast %swap3A_166 : i32 to index
    %swap3A_168 = arith.constant 32 : index
    %swap3A_169 = tpu.vector_load %arg13[%swap3A_167, %swap3A_168] {strides = array<i32>} : memref<8x256xf32, #tpu.memory_space<vmem>>, vector<16xf32>,
    tpu.vector_store %arg13[%swap3A_167, %swap3A_168], %broadcast_in_dim3A_30 {strides = array<i32>} : memref<8x256xf32, #tpu.memory_space<vmem>>, vector<16xf32>,
    %swap3A_170 = arith.constant 2 : i32
    %swap3A_171 = arith.index_cast %swap3A_170 : i32 to index
    %swap3A_172 = arith.constant 48 : index
    %swap3A_173 = tpu.vector_load %arg13[%swap3A_171, %swap3A_172] {strides = array<i32>} : memref<8x256xf32, #tpu.memory_space<vmem>>, vector<16xf32>,
    tpu.vector_store %arg13[%swap3A_171, %swap3A_172], %broadcast_in_dim3A_30 {strides = array<i32>} : memref<8x256xf32, #tpu.memory_space<vmem>>, vector<16xf32>,
    %swap3A_174 = arith.constant 2 : i32
    %swap3A_175 = arith.index_cast %swap3A_174 : i32 to index
    %swap3A_176 = arith.constant 64 : index
    %swap3A_177 = tpu.vector_load %arg13[%swap3A_175, %swap3A_176] {strides = array<i32>} : memref<8x256xf32, #tpu.memory_space<vmem>>, vector<16xf32>,
    tpu.vector_store %arg13[%swap3A_175, %swap3A_176], %broadcast_in_dim3A_30 {strides = array<i32>} : memref<8x256xf32, #tpu.memory_space<vmem>>, vector<16xf32>,
    %swap3A_178 = arith.constant 2 : i32
    %swap3A_179 = arith.index_cast %swap3A_178 : i32 to index
    %swap3A_180 = arith.constant 80 : index
    %swap3A_181 = tpu.vector_load %arg13[%swap3A_179, %swap3A_180] {strides = array<i32>} : memref<8x256xf32, #tpu.memory_space<vmem>>, vector<16xf32>,
    tpu.vector_store %arg13[%swap3A_179, %swap3A_180], %broadcast_in_dim3A_30 {strides = array<i32>} : memref<8x256xf32, #tpu.memory_space<vmem>>, vector<16xf32>,
    %swap3A_182 = arith.constant 2 : i32
    %swap3A_183 = arith.index_cast %swap3A_182 : i32 to index
    %swap3A_184 = arith.constant 96 : index
    %swap3A_185 = tpu.vector_load %arg13[%swap3A_183, %swap3A_184] {strides = array<i32>} : memref<8x256xf32, #tpu.memory_space<vmem>>, vector<16xf32>,
    tpu.vector_store %arg13[%swap3A_183, %swap3A_184], %broadcast_in_dim3A_30 {strides = array<i32>} : memref<8x256xf32, #tpu.memory_space<vmem>>, vector<16xf32>,
    %swap3A_186 = arith.constant 2 : i32
    %swap3A_187 = arith.index_cast %swap3A_186 : i32 to index
    %swap3A_188 = arith.constant 112 : index
    %swap3A_189 = tpu.vector_load %arg13[%swap3A_187, %swap3A_188] {strides = array<i32>} : memref<8x256xf32, #tpu.memory_space<vmem>>, vector<16xf32>,
    tpu.vector_store %arg13[%swap3A_187, %swap3A_188], %broadcast_in_dim3A_30 {strides = array<i32>} : memref<8x256xf32, #tpu.memory_space<vmem>>, vector<16xf32>,
    %swap3A_190 = arith.constant 2 : i32
    %swap3A_191 = arith.index_cast %swap3A_190 : i32 to index
    %swap3A_192 = arith.constant 128 : index
    %swap3A_193 = tpu.vector_load %arg13[%swap3A_191, %swap3A_192] {strides = array<i32>} : memref<8x256xf32, #tpu.memory_space<vmem>>, vector<16xf32>,
    tpu.vector_store %arg13[%swap3A_191, %swap3A_192], %broadcast_in_dim3A_30 {strides = array<i32>} : memref<8x256xf32, #tpu.memory_space<vmem>>, vector<16xf32>,
    %swap3A_194 = arith.constant 2 : i32
    %swap3A_195 = arith.index_cast %swap3A_194 : i32 to index
    %swap3A_196 = arith.constant 144 : index
    %swap3A_197 = tpu.vector_load %arg13[%swap3A_195, %swap3A_196] {strides = array<i32>} : memref<8x256xf32, #tpu.memory_space<vmem>>, vector<16xf32>,
    tpu.vector_store %arg13[%swap3A_195, %swap3A_196], %broadcast_in_dim3A_30 {strides = array<i32>} : memref<8x256xf32, #tpu.memory_space<vmem>>, vector<16xf32>,
    %swap3A_198 = arith.constant 2 : i32
    %swap3A_199 = arith.index_cast %swap3A_198 : i32 to index
    %swap3A_200 = arith.constant 160 : index
    %swap3A_201 = tpu.vector_load %arg13[%swap3A_199, %swap3A_200] {strides = array<i32>} : memref<8x256xf32, #tpu.memory_space<vmem>>, vector<16xf32>,
    tpu.vector_store %arg13[%swap3A_199, %swap3A_200], %broadcast_in_dim3A_30 {strides = array<i32>} : memref<8x256xf32, #tpu.memory_space<vmem>>, vector<16xf32>,
    %swap3A_202 = arith.constant 2 : i32
    %swap3A_203 = arith.index_cast %swap3A_202 : i32 to index
    %swap3A_204 = arith.constant 176 : index
    %swap3A_205 = tpu.vector_load %arg13[%swap3A_203, %swap3A_204] {strides = array<i32>} : memref<8x256xf32, #tpu.memory_space<vmem>>, vector<16xf32>,
    tpu.vector_store %arg13[%swap3A_203, %swap3A_204], %broadcast_in_dim3A_30 {strides = array<i32>} : memref<8x256xf32, #tpu.memory_space<vmem>>, vector<16xf32>,
    %swap3A_206 = arith.constant 2 : i32
    %swap3A_207 = arith.index_cast %swap3A_206 : i32 to index
    %swap3A_208 = arith.constant 192 : index
    %swap3A_209 = tpu.vector_load %arg13[%swap3A_207, %swap3A_208] {strides = array<i32>} : memref<8x256xf32, #tpu.memory_space<vmem>>, vector<16xf32>,
    tpu.vector_store %arg13[%swap3A_207, %swap3A_208], %broadcast_in_dim3A_30 {strides = array<i32>} : memref<8x256xf32, #tpu.memory_space<vmem>>, vector<16xf32>,
    %swap3A_210 = arith.constant 2 : i32
    %swap3A_211 = arith.index_cast %swap3A_210 : i32 to index
    %swap3A_212 = arith.constant 208 : index
    %swap3A_213 = tpu.vector_load %arg13[%swap3A_211, %swap3A_212] {strides = array<i32>} : memref<8x256xf32, #tpu.memory_space<vmem>>, vector<16xf32>,
    tpu.vector_store %arg13[%swap3A_211, %swap3A_212], %broadcast_in_dim3A_30 {strides = array<i32>} : memref<8x256xf32, #tpu.memory_space<vmem>>, vector<16xf32>,
    %swap3A_214 = arith.constant 2 : i32
    %swap3A_215 = arith.index_cast %swap3A_214 : i32 to index
    %swap3A_216 = arith.constant 224 : index
    %swap3A_217 = tpu.vector_load %arg13[%swap3A_215, %swap3A_216] {strides = array<i32>} : memref<8x256xf32, #tpu.memory_space<vmem>>, vector<16xf32>,
    tpu.vector_store %arg13[%swap3A_215, %swap3A_216], %broadcast_in_dim3A_30 {strides = array<i32>} : memref<8x256xf32, #tpu.memory_space<vmem>>, vector<16xf32>,
    %swap3A_218 = arith.constant 2 : i32
    %swap3A_219 = arith.index_cast %swap3A_218 : i32 to index
    %swap3A_220 = arith.constant 240 : index
    %swap3A_221 = tpu.vector_load %arg13[%swap3A_219, %swap3A_220] {strides = array<i32>} : memref<8x256xf32, #tpu.memory_space<vmem>>, vector<16xf32>,
    tpu.vector_store %arg13[%swap3A_219, %swap3A_220], %broadcast_in_dim3A_30 {strides = array<i32>} : memref<8x256xf32, #tpu.memory_space<vmem>>, vector<16xf32>,
    %swap3A_222 = arith.constant 3 : i32
    %swap3A_223 = arith.index_cast %swap3A_222 : i32 to index
    %swap3A_224 = arith.constant 0 : index
    %swap3A_225 = tpu.vector_load %arg13[%swap3A_223, %swap3A_224] {strides = array<i32>} : memref<8x256xf32, #tpu.memory_space<vmem>>, vector<16xf32>,
    tpu.vector_store %arg13[%swap3A_223, %swap3A_224], %broadcast_in_dim3A_30 {strides = array<i32>} : memref<8x256xf32, #tpu.memory_space<vmem>>, vector<16xf32>,
    %swap3A_226 = arith.constant 3 : i32
    %swap3A_227 = arith.index_cast %swap3A_226 : i32 to index
    %swap3A_228 = arith.constant 16 : index
    %swap3A_229 = tpu.vector_load %arg13[%swap3A_227, %swap3A_228] {strides = array<i32>} : memref<8x256xf32, #tpu.memory_space<vmem>>, vector<16xf32>,
    tpu.vector_store %arg13[%swap3A_227, %swap3A_228], %broadcast_in_dim3A_30 {strides = array<i32>} : memref<8x256xf32, #tpu.memory_space<vmem>>, vector<16xf32>,
    %swap3A_230 = arith.constant 3 : i32
    %swap3A_231 = arith.index_cast %swap3A_230 : i32 to index
    %swap3A_232 = arith.constant 32 : index
    %swap3A_233 = tpu.vector_load %arg13[%swap3A_231, %swap3A_232] {strides = array<i32>} : memref<8x256xf32, #tpu.memory_space<vmem>>, vector<16xf32>,
    tpu.vector_store %arg13[%swap3A_231, %swap3A_232], %broadcast_in_dim3A_30 {strides = array<i32>} : memref<8x256xf32, #tpu.memory_space<vmem>>, vector<16xf32>,
    %swap3A_234 = arith.constant 3 : i32
    %swap3A_235 = arith.index_cast %swap3A_234 : i32 to index
    %swap3A_236 = arith.constant 48 : index
    %swap3A_237 = tpu.vector_load %arg13[%swap3A_235, %swap3A_236] {strides = array<i32>} : memref<8x256xf32, #tpu.memory_space<vmem>>, vector<16xf32>,
    tpu.vector_store %arg13[%swap3A_235, %swap3A_236], %broadcast_in_dim3A_30 {strides = array<i32>} : memref<8x256xf32, #tpu.memory_space<vmem>>, vector<16xf32>,
    %swap3A_238 = arith.constant 3 : i32
    %swap3A_239 = arith.index_cast %swap3A_238 : i32 to index
    %swap3A_240 = arith.constant 64 : index
    %swap3A_241 = tpu.vector_load %arg13[%swap3A_239, %swap3A_240] {strides = array<i32>} : memref<8x256xf32, #tpu.memory_space<vmem>>, vector<16xf32>,
    tpu.vector_store %arg13[%swap3A_239, %swap3A_240], %broadcast_in_dim3A_30 {strides = array<i32>} : memref<8x256xf32, #tpu.memory_space<vmem>>, vector<16xf32>,
    %swap3A_242 = arith.constant 3 : i32
    %swap3A_243 = arith.index_cast %swap3A_242 : i32 to index
    %swap3A_244 = arith.constant 80 : index
    %swap3A_245 = tpu.vector_load %arg13[%swap3A_243, %swap3A_244] {strides = array<i32>} : memref<8x256xf32, #tpu.memory_space<vmem>>, vector<16xf32>,
    tpu.vector_store %arg13[%swap3A_243, %swap3A_244], %broadcast_in_dim3A_30 {strides = array<i32>} : memref<8x256xf32, #tpu.memory_space<vmem>>, vector<16xf32>,
    %swap3A_246 = arith.constant 3 : i32
    %swap3A_247 = arith.index_cast %swap3A_246 : i32 to index
    %swap3A_248 = arith.constant 96 : index
    %swap3A_249 = tpu.vector_load %arg13[%swap3A_247, %swap3A_248] {strides = array<i32>} : memref<8x256xf32, #tpu.memory_space<vmem>>, vector<16xf32>,
    tpu.vector_store %arg13[%swap3A_247, %swap3A_248], %broadcast_in_dim3A_30 {strides = array<i32>} : memref<8x256xf32, #tpu.memory_space<vmem>>, vector<16xf32>,
    %swap3A_250 = arith.constant 3 : i32
    %swap3A_251 = arith.index_cast %swap3A_250 : i32 to index
    %swap3A_252 = arith.constant 112 : index
    %swap3A_253 = tpu.vector_load %arg13[%swap3A_251, %swap3A_252] {strides = array<i32>} : memref<8x256xf32, #tpu.memory_space<vmem>>, vector<16xf32>,
    tpu.vector_store %arg13[%swap3A_251, %swap3A_252], %broadcast_in_dim3A_30 {strides = array<i32>} : memref<8x256xf32, #tpu.memory_space<vmem>>, vector<16xf32>,
    %swap3A_254 = arith.constant 3 : i32
    %swap3A_255 = arith.index_cast %swap3A_254 : i32 to index
    %swap3A_256 = arith.constant 128 : index
    %swap3A_257 = tpu.vector_load %arg13[%swap3A_255, %swap3A_256] {strides = array<i32>} : memref<8x256xf32, #tpu.memory_space<vmem>>, vector<16xf32>,
    tpu.vector_store %arg13[%swap3A_255, %swap3A_256], %broadcast_in_dim3A_30 {strides = array<i32>} : memref<8x256xf32, #tpu.memory_space<vmem>>, vector<16xf32>,
    %swap3A_258 = arith.constant 3 : i32
    %swap3A_259 = arith.index_cast %swap3A_258 : i32 to index
    %swap3A_260 = arith.constant 144 : index
    %swap3A_261 = tpu.vector_load %arg13[%swap3A_259, %swap3A_260] {strides = array<i32>} : memref<8x256xf32, #tpu.memory_space<vmem>>, vector<16xf32>,
    tpu.vector_store %arg13[%swap3A_259, %swap3A_260], %broadcast_in_dim3A_30 {strides = array<i32>} : memref<8x256xf32, #tpu.memory_space<vmem>>, vector<16xf32>,
    %swap3A_262 = arith.constant 3 : i32
    %swap3A_263 = arith.index_cast %swap3A_262 : i32 to index
    %swap3A_264 = arith.constant 160 : index
    %swap3A_265 = tpu.vector_load %arg13[%swap3A_263, %swap3A_264] {strides = array<i32>} : memref<8x256xf32, #tpu.memory_space<vmem>>, vector<16xf32>,
    tpu.vector_store %arg13[%swap3A_263, %swap3A_264], %broadcast_in_dim3A_30 {strides = array<i32>} : memref<8x256xf32, #tpu.memory_space<vmem>>, vector<16xf32>,
    %swap3A_266 = arith.constant 3 : i32
    %swap3A_267 = arith.index_cast %swap3A_266 : i32 to index
    %swap3A_268 = arith.constant 176 : index
    %swap3A_269 = tpu.vector_load %arg13[%swap3A_267, %swap3A_268] {strides = array<i32>} : memref<8x256xf32, #tpu.memory_space<vmem>>, vector<16xf32>,
    tpu.vector_store %arg13[%swap3A_267, %swap3A_268], %broadcast_in_dim3A_30 {strides = array<i32>} : memref<8x256xf32, #tpu.memory_space<vmem>>, vector<16xf32>,
    %swap3A_270 = arith.constant 3 : i32
    %swap3A_271 = arith.index_cast %swap3A_270 : i32 to index
    %swap3A_272 = arith.constant 192 : index
    %swap3A_273 = tpu.vector_load %arg13[%swap3A_271, %swap3A_272] {strides = array<i32>} : memref<8x256xf32, #tpu.memory_space<vmem>>, vector<16xf32>,
    tpu.vector_store %arg13[%swap3A_271, %swap3A_272], %broadcast_in_dim3A_30 {strides = array<i32>} : memref<8x256xf32, #tpu.memory_space<vmem>>, vector<16xf32>,
    %swap3A_274 = arith.constant 3 : i32
    %swap3A_275 = arith.index_cast %swap3A_274 : i32 to index
    %swap3A_276 = arith.constant 208 : index
    %swap3A_277 = tpu.vector_load %arg13[%swap3A_275, %swap3A_276] {strides = array<i32>} : memref<8x256xf32, #tpu.memory_space<vmem>>, vector<16xf32>,
    tpu.vector_store %arg13[%swap3A_275, %swap3A_276], %broadcast_in_dim3A_30 {strides = array<i32>} : memref<8x256xf32, #tpu.memory_space<vmem>>, vector<16xf32>,
    %swap3A_278 = arith.constant 3 : i32
    %swap3A_279 = arith.index_cast %swap3A_278 : i32 to index
    %swap3A_280 = arith.constant 224 : index
    %swap3A_281 = tpu.vector_load %arg13[%swap3A_279, %swap3A_280] {strides = array<i32>} : memref<8x256xf32, #tpu.memory_space<vmem>>, vector<16xf32>,
    tpu.vector_store %arg13[%swap3A_279, %swap3A_280], %broadcast_in_dim3A_30 {strides = array<i32>} : memref<8x256xf32, #tpu.memory_space<vmem>>, vector<16xf32>,
    %swap3A_282 = arith.constant 3 : i32
    %swap3A_283 = arith.index_cast %swap3A_282 : i32 to index
    %swap3A_284 = arith.constant 240 : index
    %swap3A_285 = tpu.vector_load %arg13[%swap3A_283, %swap3A_284] {strides = array<i32>} : memref<8x256xf32, #tpu.memory_space<vmem>>, vector<16xf32>,
    tpu.vector_store %arg13[%swap3A_283, %swap3A_284], %broadcast_in_dim3A_30 {strides = array<i32>} : memref<8x256xf32, #tpu.memory_space<vmem>>, vector<16xf32>,
    %swap3A_286 = arith.constant 4 : i32
    %swap3A_287 = arith.index_cast %swap3A_286 : i32 to index
    %swap3A_288 = arith.constant 0 : index
    %swap3A_289 = tpu.vector_load %arg13[%swap3A_287, %swap3A_288] {strides = array<i32>} : memref<8x256xf32, #tpu.memory_space<vmem>>, vector<16xf32>,
    tpu.vector_store %arg13[%swap3A_287, %swap3A_288], %broadcast_in_dim3A_30 {strides = array<i32>} : memref<8x256xf32, #tpu.memory_space<vmem>>, vector<16xf32>,
    %swap3A_290 = arith.constant 4 : i32
    %swap3A_291 = arith.index_cast %swap3A_290 : i32 to index
    %swap3A_292 = arith.constant 16 : index
    %swap3A_293 = tpu.vector_load %arg13[%swap3A_291, %swap3A_292] {strides = array<i32>} : memref<8x256xf32, #tpu.memory_space<vmem>>, vector<16xf32>,
    tpu.vector_store %arg13[%swap3A_291, %swap3A_292], %broadcast_in_dim3A_30 {strides = array<i32>} : memref<8x256xf32, #tpu.memory_space<vmem>>, vector<16xf32>,
    %swap3A_294 = arith.constant 4 : i32
    %swap3A_295 = arith.index_cast %swap3A_294 : i32 to index
    %swap3A_296 = arith.constant 32 : index
    %swap3A_297 = tpu.vector_load %arg13[%swap3A_295, %swap3A_296] {strides = array<i32>} : memref<8x256xf32, #tpu.memory_space<vmem>>, vector<16xf32>,
    tpu.vector_store %arg13[%swap3A_295, %swap3A_296], %broadcast_in_dim3A_30 {strides = array<i32>} : memref<8x256xf32, #tpu.memory_space<vmem>>, vector<16xf32>,
    %swap3A_298 = arith.constant 4 : i32
    %swap3A_299 = arith.index_cast %swap3A_298 : i32 to index
    %swap3A_300 = arith.constant 48 : index
    %swap3A_301 = tpu.vector_load %arg13[%swap3A_299, %swap3A_300] {strides = array<i32>} : memref<8x256xf32, #tpu.memory_space<vmem>>, vector<16xf32>,
    tpu.vector_store %arg13[%swap3A_299, %swap3A_300], %broadcast_in_dim3A_30 {strides = array<i32>} : memref<8x256xf32, #tpu.memory_space<vmem>>, vector<16xf32>,
    %swap3A_302 = arith.constant 4 : i32
    %swap3A_303 = arith.index_cast %swap3A_302 : i32 to index
    %swap3A_304 = arith.constant 64 : index
    %swap3A_305 = tpu.vector_load %arg13[%swap3A_303, %swap3A_304] {strides = array<i32>} : memref<8x256xf32, #tpu.memory_space<vmem>>, vector<16xf32>,
    tpu.vector_store %arg13[%swap3A_303, %swap3A_304], %broadcast_in_dim3A_30 {strides = array<i32>} : memref<8x256xf32, #tpu.memory_space<vmem>>, vector<16xf32>,
    %swap3A_306 = arith.constant 4 : i32
    %swap3A_307 = arith.index_cast %swap3A_306 : i32 to index
    %swap3A_308 = arith.constant 80 : index
    %swap3A_309 = tpu.vector_load %arg13[%swap3A_307, %swap3A_308] {strides = array<i32>} : memref<8x256xf32, #tpu.memory_space<vmem>>, vector<16xf32>,
    tpu.vector_store %arg13[%swap3A_307, %swap3A_308], %broadcast_in_dim3A_30 {strides = array<i32>} : memref<8x256xf32, #tpu.memory_space<vmem>>, vector<16xf32>,
    %swap3A_310 = arith.constant 4 : i32
    %swap3A_311 = arith.index_cast %swap3A_310 : i32 to index
    %swap3A_312 = arith.constant 96 : index
    %swap3A_313 = tpu.vector_load %arg13[%swap3A_311, %swap3A_312] {strides = array<i32>} : memref<8x256xf32, #tpu.memory_space<vmem>>, vector<16xf32>,
    tpu.vector_store %arg13[%swap3A_311, %swap3A_312], %broadcast_in_dim3A_30 {strides = array<i32>} : memref<8x256xf32, #tpu.memory_space<vmem>>, vector<16xf32>,
    %swap3A_314 = arith.constant 4 : i32
    %swap3A_315 = arith.index_cast %swap3A_314 : i32 to index
    %swap3A_316 = arith.constant 112 : index
    %swap3A_317 = tpu.vector_load %arg13[%swap3A_315, %swap3A_316] {strides = array<i32>} : memref<8x256xf32, #tpu.memory_space<vmem>>, vector<16xf32>,
    tpu.vector_store %arg13[%swap3A_315, %swap3A_316], %broadcast_in_dim3A_30 {strides = array<i32>} : memref<8x256xf32, #tpu.memory_space<vmem>>, vector<16xf32>,
    %swap3A_318 = arith.constant 4 : i32
    %swap3A_319 = arith.index_cast %swap3A_318 : i32 to index
    %swap3A_320 = arith.constant 128 : index
    %swap3A_321 = tpu.vector_load %arg13[%swap3A_319, %swap3A_320] {strides = array<i32>} : memref<8x256xf32, #tpu.memory_space<vmem>>, vector<16xf32>,
    tpu.vector_store %arg13[%swap3A_319, %swap3A_320], %broadcast_in_dim3A_30 {strides = array<i32>} : memref<8x256xf32, #tpu.memory_space<vmem>>, vector<16xf32>,
    %swap3A_322 = arith.constant 4 : i32
    %swap3A_323 = arith.index_cast %swap3A_322 : i32 to index
    %swap3A_324 = arith.constant 144 : index
    %swap3A_325 = tpu.vector_load %arg13[%swap3A_323, %swap3A_324] {strides = array<i32>} : memref<8x256xf32, #tpu.memory_space<vmem>>, vector<16xf32>,
    tpu.vector_store %arg13[%swap3A_323, %swap3A_324], %broadcast_in_dim3A_30 {strides = array<i32>} : memref<8x256xf32, #tpu.memory_space<vmem>>, vector<16xf32>,
    %swap3A_326 = arith.constant 4 : i32
    %swap3A_327 = arith.index_cast %swap3A_326 : i32 to index
    %swap3A_328 = arith.constant 160 : index
    %swap3A_329 = tpu.vector_load %arg13[%swap3A_327, %swap3A_328] {strides = array<i32>} : memref<8x256xf32, #tpu.memory_space<vmem>>, vector<16xf32>,
    tpu.vector_store %arg13[%swap3A_327, %swap3A_328], %broadcast_in_dim3A_30 {strides = array<i32>} : memref<8x256xf32, #tpu.memory_space<vmem>>, vector<16xf32>,
    %swap3A_330 = arith.constant 4 : i32
    %swap3A_331 = arith.index_cast %swap3A_330 : i32 to index
    %swap3A_332 = arith.constant 176 : index
    %swap3A_333 = tpu.vector_load %arg13[%swap3A_331, %swap3A_332] {strides = array<i32>} : memref<8x256xf32, #tpu.memory_space<vmem>>, vector<16xf32>,
    tpu.vector_store %arg13[%swap3A_331, %swap3A_332], %broadcast_in_dim3A_30 {strides = array<i32>} : memref<8x256xf32, #tpu.memory_space<vmem>>, vector<16xf32>,
    %swap3A_334 = arith.constant 4 : i32
    %swap3A_335 = arith.index_cast %swap3A_334 : i32 to index
    %swap3A_336 = arith.constant 192 : index
    %swap3A_337 = tpu.vector_load %arg13[%swap3A_335, %swap3A_336] {strides = array<i32>} : memref<8x256xf32, #tpu.memory_space<vmem>>, vector<16xf32>,
    tpu.vector_store %arg13[%swap3A_335, %swap3A_336], %broadcast_in_dim3A_30 {strides = array<i32>} : memref<8x256xf32, #tpu.memory_space<vmem>>, vector<16xf32>,
    %swap3A_338 = arith.constant 4 : i32
    %swap3A_339 = arith.index_cast %swap3A_338 : i32 to index
    %swap3A_340 = arith.constant 208 : index
    %swap3A_341 = tpu.vector_load %arg13[%swap3A_339, %swap3A_340] {strides = array<i32>} : memref<8x256xf32, #tpu.memory_space<vmem>>, vector<16xf32>,
    tpu.vector_store %arg13[%swap3A_339, %swap3A_340], %broadcast_in_dim3A_30 {strides = array<i32>} : memref<8x256xf32, #tpu.memory_space<vmem>>, vector<16xf32>,
    %swap3A_342 = arith.constant 4 : i32
    %swap3A_343 = arith.index_cast %swap3A_342 : i32 to index
    %swap3A_344 = arith.constant 224 : index
    %swap3A_345 = tpu.vector_load %arg13[%swap3A_343, %swap3A_344] {strides = array<i32>} : memref<8x256xf32, #tpu.memory_space<vmem>>, vector<16xf32>,
    tpu.vector_store %arg13[%swap3A_343, %swap3A_344], %broadcast_in_dim3A_30 {strides = array<i32>} : memref<8x256xf32, #tpu.memory_space<vmem>>, vector<16xf32>,
    %swap3A_346 = arith.constant 4 : i32
    %swap3A_347 = arith.index_cast %swap3A_346 : i32 to index
    %swap3A_348 = arith.constant 240 : index
    %swap3A_349 = tpu.vector_load %arg13[%swap3A_347, %swap3A_348] {strides = array<i32>} : memref<8x256xf32, #tpu.memory_space<vmem>>, vector<16xf32>,
    tpu.vector_store %arg13[%swap3A_347, %swap3A_348], %broadcast_in_dim3A_30 {strides = array<i32>} : memref<8x256xf32, #tpu.memory_space<vmem>>, vector<16xf32>,
    %swap3A_350 = arith.constant 5 : i32
    %swap3A_351 = arith.index_cast %swap3A_350 : i32 to index
    %swap3A_352 = arith.constant 0 : index
    %swap3A_353 = tpu.vector_load %arg13[%swap3A_351, %swap3A_352] {strides = array<i32>} : memref<8x256xf32, #tpu.memory_space<vmem>>, vector<16xf32>,
    tpu.vector_store %arg13[%swap3A_351, %swap3A_352], %broadcast_in_dim3A_30 {strides = array<i32>} : memref<8x256xf32, #tpu.memory_space<vmem>>, vector<16xf32>,
    %swap3A_354 = arith.constant 5 : i32
    %swap3A_355 = arith.index_cast %swap3A_354 : i32 to index
    %swap3A_356 = arith.constant 16 : index
    %swap3A_357 = tpu.vector_load %arg13[%swap3A_355, %swap3A_356] {strides = array<i32>} : memref<8x256xf32, #tpu.memory_space<vmem>>, vector<16xf32>,
    tpu.vector_store %arg13[%swap3A_355, %swap3A_356], %broadcast_in_dim3A_30 {strides = array<i32>} : memref<8x256xf32, #tpu.memory_space<vmem>>, vector<16xf32>,
    %swap3A_358 = arith.constant 5 : i32
    %swap3A_359 = arith.index_cast %swap3A_358 : i32 to index
    %swap3A_360 = arith.constant 32 : index
    %swap3A_361 = tpu.vector_load %arg13[%swap3A_359, %swap3A_360] {strides = array<i32>} : memref<8x256xf32, #tpu.memory_space<vmem>>, vector<16xf32>,
    tpu.vector_store %arg13[%swap3A_359, %swap3A_360], %broadcast_in_dim3A_30 {strides = array<i32>} : memref<8x256xf32, #tpu.memory_space<vmem>>, vector<16xf32>,
    %swap3A_362 = arith.constant 5 : i32
    %swap3A_363 = arith.index_cast %swap3A_362 : i32 to index
    %swap3A_364 = arith.constant 48 : index
    %swap3A_365 = tpu.vector_load %arg13[%swap3A_363, %swap3A_364] {strides = array<i32>} : memref<8x256xf32, #tpu.memory_space<vmem>>, vector<16xf32>,
    tpu.vector_store %arg13[%swap3A_363, %swap3A_364], %broadcast_in_dim3A_30 {strides = array<i32>} : memref<8x256xf32, #tpu.memory_space<vmem>>, vector<16xf32>,
    %swap3A_366 = arith.constant 5 : i32
    %swap3A_367 = arith.index_cast %swap3A_366 : i32 to index
    %swap3A_368 = arith.constant 64 : index
    %swap3A_369 = tpu.vector_load %arg13[%swap3A_367, %swap3A_368] {strides = array<i32>} : memref<8x256xf32, #tpu.memory_space<vmem>>, vector<16xf32>,
    tpu.vector_store %arg13[%swap3A_367, %swap3A_368], %broadcast_in_dim3A_30 {strides = array<i32>} : memref<8x256xf32, #tpu.memory_space<vmem>>, vector<16xf32>,
    %swap3A_370 = arith.constant 5 : i32
    %swap3A_371 = arith.index_cast %swap3A_370 : i32 to index
    %swap3A_372 = arith.constant 80 : index
    %swap3A_373 = tpu.vector_load %arg13[%swap3A_371, %swap3A_372] {strides = array<i32>} : memref<8x256xf32, #tpu.memory_space<vmem>>, vector<16xf32>,
    tpu.vector_store %arg13[%swap3A_371, %swap3A_372], %broadcast_in_dim3A_30 {strides = array<i32>} : memref<8x256xf32, #tpu.memory_space<vmem>>, vector<16xf32>,
    %swap3A_374 = arith.constant 5 : i32
    %swap3A_375 = arith.index_cast %swap3A_374 : i32 to index
    %swap3A_376 = arith.constant 96 : index
    %swap3A_377 = tpu.vector_load %arg13[%swap3A_375, %swap3A_376] {strides = array<i32>} : memref<8x256xf32, #tpu.memory_space<vmem>>, vector<16xf32>,
    tpu.vector_store %arg13[%swap3A_375, %swap3A_376], %broadcast_in_dim3A_30 {strides = array<i32>} : memref<8x256xf32, #tpu.memory_space<vmem>>, vector<16xf32>,
    %swap3A_378 = arith.constant 5 : i32
    %swap3A_379 = arith.index_cast %swap3A_378 : i32 to index
    %swap3A_380 = arith.constant 112 : index
    %swap3A_381 = tpu.vector_load %arg13[%swap3A_379, %swap3A_380] {strides = array<i32>} : memref<8x256xf32, #tpu.memory_space<vmem>>, vector<16xf32>,
    tpu.vector_store %arg13[%swap3A_379, %swap3A_380], %broadcast_in_dim3A_30 {strides = array<i32>} : memref<8x256xf32, #tpu.memory_space<vmem>>, vector<16xf32>,
    %swap3A_382 = arith.constant 5 : i32
    %swap3A_383 = arith.index_cast %swap3A_382 : i32 to index
    %swap3A_384 = arith.constant 128 : index
    %swap3A_385 = tpu.vector_load %arg13[%swap3A_383, %swap3A_384] {strides = array<i32>} : memref<8x256xf32, #tpu.memory_space<vmem>>, vector<16xf32>,
    tpu.vector_store %arg13[%swap3A_383, %swap3A_384], %broadcast_in_dim3A_30 {strides = array<i32>} : memref<8x256xf32, #tpu.memory_space<vmem>>, vector<16xf32>,
    %swap3A_386 = arith.constant 5 : i32
    %swap3A_387 = arith.index_cast %swap3A_386 : i32 to index
    %swap3A_388 = arith.constant 144 : index
    %swap3A_389 = tpu.vector_load %arg13[%swap3A_387, %swap3A_388] {strides = array<i32>} : memref<8x256xf32, #tpu.memory_space<vmem>>, vector<16xf32>,
    tpu.vector_store %arg13[%swap3A_387, %swap3A_388], %broadcast_in_dim3A_30 {strides = array<i32>} : memref<8x256xf32, #tpu.memory_space<vmem>>, vector<16xf32>,
    %swap3A_390 = arith.constant 5 : i32
    %swap3A_391 = arith.index_cast %swap3A_390 : i32 to index
    %swap3A_392 = arith.constant 160 : index
    %swap3A_393 = tpu.vector_load %arg13[%swap3A_391, %swap3A_392] {strides = array<i32>} : memref<8x256xf32, #tpu.memory_space<vmem>>, vector<16xf32>,
    tpu.vector_store %arg13[%swap3A_391, %swap3A_392], %broadcast_in_dim3A_30 {strides = array<i32>} : memref<8x256xf32, #tpu.memory_space<vmem>>, vector<16xf32>,
    %swap3A_394 = arith.constant 5 : i32
    %swap3A_395 = arith.index_cast %swap3A_394 : i32 to index
    %swap3A_396 = arith.constant 176 : index
    %swap3A_397 = tpu.vector_load %arg13[%swap3A_395, %swap3A_396] {strides = array<i32>} : memref<8x256xf32, #tpu.memory_space<vmem>>, vector<16xf32>,
    tpu.vector_store %arg13[%swap3A_395, %swap3A_396], %broadcast_in_dim3A_30 {strides = array<i32>} : memref<8x256xf32, #tpu.memory_space<vmem>>, vector<16xf32>,
    %swap3A_398 = arith.constant 5 : i32
    %swap3A_399 = arith.index_cast %swap3A_398 : i32 to index
    %swap3A_400 = arith.constant 192 : index
    %swap3A_401 = tpu.vector_load %arg13[%swap3A_399, %swap3A_400] {strides = array<i32>} : memref<8x256xf32, #tpu.memory_space<vmem>>, vector<16xf32>,
    tpu.vector_store %arg13[%swap3A_399, %swap3A_400], %broadcast_in_dim3A_30 {strides = array<i32>} : memref<8x256xf32, #tpu.memory_space<vmem>>, vector<16xf32>,
    %swap3A_402 = arith.constant 5 : i32
    %swap3A_403 = arith.index_cast %swap3A_402 : i32 to index
    %swap3A_404 = arith.constant 208 : index
    %swap3A_405 = tpu.vector_load %arg13[%swap3A_403, %swap3A_404] {strides = array<i32>} : memref<8x256xf32, #tpu.memory_space<vmem>>, vector<16xf32>,
    tpu.vector_store %arg13[%swap3A_403, %swap3A_404], %broadcast_in_dim3A_30 {strides = array<i32>} : memref<8x256xf32, #tpu.memory_space<vmem>>, vector<16xf32>,
    %swap3A_406 = arith.constant 5 : i32
    %swap3A_407 = arith.index_cast %swap3A_406 : i32 to index
    %swap3A_408 = arith.constant 224 : index
    %swap3A_409 = tpu.vector_load %arg13[%swap3A_407, %swap3A_408] {strides = array<i32>} : memref<8x256xf32, #tpu.memory_space<vmem>>, vector<16xf32>,
    tpu.vector_store %arg13[%swap3A_407, %swap3A_408], %broadcast_in_dim3A_30 {strides = array<i32>} : memref<8x256xf32, #tpu.memory_space<vmem>>, vector<16xf32>,
    %swap3A_410 = arith.constant 5 : i32
    %swap3A_411 = arith.index_cast %swap3A_410 : i32 to index
    %swap3A_412 = arith.constant 240 : index
    %swap3A_413 = tpu.vector_load %arg13[%swap3A_411, %swap3A_412] {strides = array<i32>} : memref<8x256xf32, #tpu.memory_space<vmem>>, vector<16xf32>,
    tpu.vector_store %arg13[%swap3A_411, %swap3A_412], %broadcast_in_dim3A_30 {strides = array<i32>} : memref<8x256xf32, #tpu.memory_space<vmem>>, vector<16xf32>,
    %swap3A_414 = arith.constant 6 : i32
    %swap3A_415 = arith.index_cast %swap3A_414 : i32 to index
    %swap3A_416 = arith.constant 0 : index
    %swap3A_417 = tpu.vector_load %arg13[%swap3A_415, %swap3A_416] {strides = array<i32>} : memref<8x256xf32, #tpu.memory_space<vmem>>, vector<16xf32>,
    tpu.vector_store %arg13[%swap3A_415, %swap3A_416], %broadcast_in_dim3A_30 {strides = array<i32>} : memref<8x256xf32, #tpu.memory_space<vmem>>, vector<16xf32>,
    %swap3A_418 = arith.constant 6 : i32
    %swap3A_419 = arith.index_cast %swap3A_418 : i32 to index
    %swap3A_420 = arith.constant 16 : index
    %swap3A_421 = tpu.vector_load %arg13[%swap3A_419, %swap3A_420] {strides = array<i32>} : memref<8x256xf32, #tpu.memory_space<vmem>>, vector<16xf32>,
    tpu.vector_store %arg13[%swap3A_419, %swap3A_420], %broadcast_in_dim3A_30 {strides = array<i32>} : memref<8x256xf32, #tpu.memory_space<vmem>>, vector<16xf32>,
    %swap3A_422 = arith.constant 6 : i32
    %swap3A_423 = arith.index_cast %swap3A_422 : i32 to index
    %swap3A_424 = arith.constant 32 : index
    %swap3A_425 = tpu.vector_load %arg13[%swap3A_423, %swap3A_424] {strides = array<i32>} : memref<8x256xf32, #tpu.memory_space<vmem>>, vector<16xf32>,
    tpu.vector_store %arg13[%swap3A_423, %swap3A_424], %broadcast_in_dim3A_30 {strides = array<i32>} : memref<8x256xf32, #tpu.memory_space<vmem>>, vector<16xf32>,
    %swap3A_426 = arith.constant 6 : i32
    %swap3A_427 = arith.index_cast %swap3A_426 : i32 to index
    %swap3A_428 = arith.constant 48 : index
    %swap3A_429 = tpu.vector_load %arg13[%swap3A_427, %swap3A_428] {strides = array<i32>} : memref<8x256xf32, #tpu.memory_space<vmem>>, vector<16xf32>,
    tpu.vector_store %arg13[%swap3A_427, %swap3A_428], %broadcast_in_dim3A_30 {strides = array<i32>} : memref<8x256xf32, #tpu.memory_space<vmem>>, vector<16xf32>,
    %swap3A_430 = arith.constant 6 : i32
    %swap3A_431 = arith.index_cast %swap3A_430 : i32 to index
    %swap3A_432 = arith.constant 64 : index
    %swap3A_433 = tpu.vector_load %arg13[%swap3A_431, %swap3A_432] {strides = array<i32>} : memref<8x256xf32, #tpu.memory_space<vmem>>, vector<16xf32>,
    tpu.vector_store %arg13[%swap3A_431, %swap3A_432], %broadcast_in_dim3A_30 {strides = array<i32>} : memref<8x256xf32, #tpu.memory_space<vmem>>, vector<16xf32>,
    %swap3A_434 = arith.constant 6 : i32
    %swap3A_435 = arith.index_cast %swap3A_434 : i32 to index
    %swap3A_436 = arith.constant 80 : index
    %swap3A_437 = tpu.vector_load %arg13[%swap3A_435, %swap3A_436] {strides = array<i32>} : memref<8x256xf32, #tpu.memory_space<vmem>>, vector<16xf32>,
    tpu.vector_store %arg13[%swap3A_435, %swap3A_436], %broadcast_in_dim3A_30 {strides = array<i32>} : memref<8x256xf32, #tpu.memory_space<vmem>>, vector<16xf32>,
    %swap3A_438 = arith.constant 6 : i32
    %swap3A_439 = arith.index_cast %swap3A_438 : i32 to index
    %swap3A_440 = arith.constant 96 : index
    %swap3A_441 = tpu.vector_load %arg13[%swap3A_439, %swap3A_440] {strides = array<i32>} : memref<8x256xf32, #tpu.memory_space<vmem>>, vector<16xf32>,
    tpu.vector_store %arg13[%swap3A_439, %swap3A_440], %broadcast_in_dim3A_30 {strides = array<i32>} : memref<8x256xf32, #tpu.memory_space<vmem>>, vector<16xf32>,
    %swap3A_442 = arith.constant 6 : i32
    %swap3A_443 = arith.index_cast %swap3A_442 : i32 to index
    %swap3A_444 = arith.constant 112 : index
    %swap3A_445 = tpu.vector_load %arg13[%swap3A_443, %swap3A_444] {strides = array<i32>} : memref<8x256xf32, #tpu.memory_space<vmem>>, vector<16xf32>,
    tpu.vector_store %arg13[%swap3A_443, %swap3A_444], %broadcast_in_dim3A_30 {strides = array<i32>} : memref<8x256xf32, #tpu.memory_space<vmem>>, vector<16xf32>,
    %swap3A_446 = arith.constant 6 : i32
    %swap3A_447 = arith.index_cast %swap3A_446 : i32 to index
    %swap3A_448 = arith.constant 128 : index
    %swap3A_449 = tpu.vector_load %arg13[%swap3A_447, %swap3A_448] {strides = array<i32>} : memref<8x256xf32, #tpu.memory_space<vmem>>, vector<16xf32>,
    tpu.vector_store %arg13[%swap3A_447, %swap3A_448], %broadcast_in_dim3A_30 {strides = array<i32>} : memref<8x256xf32, #tpu.memory_space<vmem>>, vector<16xf32>,
    %swap3A_450 = arith.constant 6 : i32
    %swap3A_451 = arith.index_cast %swap3A_450 : i32 to index
    %swap3A_452 = arith.constant 144 : index
    %swap3A_453 = tpu.vector_load %arg13[%swap3A_451, %swap3A_452] {strides = array<i32>} : memref<8x256xf32, #tpu.memory_space<vmem>>, vector<16xf32>,
    tpu.vector_store %arg13[%swap3A_451, %swap3A_452], %broadcast_in_dim3A_30 {strides = array<i32>} : memref<8x256xf32, #tpu.memory_space<vmem>>, vector<16xf32>,
    %swap3A_454 = arith.constant 6 : i32
    %swap3A_455 = arith.index_cast %swap3A_454 : i32 to index
    %swap3A_456 = arith.constant 160 : index
    %swap3A_457 = tpu.vector_load %arg13[%swap3A_455, %swap3A_456] {strides = array<i32>} : memref<8x256xf32, #tpu.memory_space<vmem>>, vector<16xf32>,
    tpu.vector_store %arg13[%swap3A_455, %swap3A_456], %broadcast_in_dim3A_30 {strides = array<i32>} : memref<8x256xf32, #tpu.memory_space<vmem>>, vector<16xf32>,
    %swap3A_458 = arith.constant 6 : i32
    %swap3A_459 = arith.index_cast %swap3A_458 : i32 to index
    %swap3A_460 = arith.constant 176 : index
    %swap3A_461 = tpu.vector_load %arg13[%swap3A_459, %swap3A_460] {strides = array<i32>} : memref<8x256xf32, #tpu.memory_space<vmem>>, vector<16xf32>,
    tpu.vector_store %arg13[%swap3A_459, %swap3A_460], %broadcast_in_dim3A_30 {strides = array<i32>} : memref<8x256xf32, #tpu.memory_space<vmem>>, vector<16xf32>,
    %swap3A_462 = arith.constant 6 : i32
    %swap3A_463 = arith.index_cast %swap3A_462 : i32 to index
    %swap3A_464 = arith.constant 192 : index
    %swap3A_465 = tpu.vector_load %arg13[%swap3A_463, %swap3A_464] {strides = array<i32>} : memref<8x256xf32, #tpu.memory_space<vmem>>, vector<16xf32>,
    tpu.vector_store %arg13[%swap3A_463, %swap3A_464], %broadcast_in_dim3A_30 {strides = array<i32>} : memref<8x256xf32, #tpu.memory_space<vmem>>, vector<16xf32>,
    %swap3A_466 = arith.constant 6 : i32
    %swap3A_467 = arith.index_cast %swap3A_466 : i32 to index
    %swap3A_468 = arith.constant 208 : index
    %swap3A_469 = tpu.vector_load %arg13[%swap3A_467, %swap3A_468] {strides = array<i32>} : memref<8x256xf32, #tpu.memory_space<vmem>>, vector<16xf32>,
    tpu.vector_store %arg13[%swap3A_467, %swap3A_468], %broadcast_in_dim3A_30 {strides = array<i32>} : memref<8x256xf32, #tpu.memory_space<vmem>>, vector<16xf32>,
    %swap3A_470 = arith.constant 6 : i32
    %swap3A_471 = arith.index_cast %swap3A_470 : i32 to index
    %swap3A_472 = arith.constant 224 : index
    %swap3A_473 = tpu.vector_load %arg13[%swap3A_471, %swap3A_472] {strides = array<i32>} : memref<8x256xf32, #tpu.memory_space<vmem>>, vector<16xf32>,
    tpu.vector_store %arg13[%swap3A_471, %swap3A_472], %broadcast_in_dim3A_30 {strides = array<i32>} : memref<8x256xf32, #tpu.memory_space<vmem>>, vector<16xf32>,
    %swap3A_474 = arith.constant 6 : i32
    %swap3A_475 = arith.index_cast %swap3A_474 : i32 to index
    %swap3A_476 = arith.constant 240 : index
    %swap3A_477 = tpu.vector_load %arg13[%swap3A_475, %swap3A_476] {strides = array<i32>} : memref<8x256xf32, #tpu.memory_space<vmem>>, vector<16xf32>,
    tpu.vector_store %arg13[%swap3A_475, %swap3A_476], %broadcast_in_dim3A_30 {strides = array<i32>} : memref<8x256xf32, #tpu.memory_space<vmem>>, vector<16xf32>,
    %swap3A_478 = arith.constant 7 : i32
    %swap3A_479 = arith.index_cast %swap3A_478 : i32 to index
    %swap3A_480 = arith.constant 0 : index
    %swap3A_481 = tpu.vector_load %arg13[%swap3A_479, %swap3A_480] {strides = array<i32>} : memref<8x256xf32, #tpu.memory_space<vmem>>, vector<16xf32>,
    tpu.vector_store %arg13[%swap3A_479, %swap3A_480], %broadcast_in_dim3A_30 {strides = array<i32>} : memref<8x256xf32, #tpu.memory_space<vmem>>, vector<16xf32>,
    %swap3A_482 = arith.constant 7 : i32
    %swap3A_483 = arith.index_cast %swap3A_482 : i32 to index
    %swap3A_484 = arith.constant 16 : index
    %swap3A_485 = tpu.vector_load %arg13[%swap3A_483, %swap3A_484] {strides = array<i32>} : memref<8x256xf32, #tpu.memory_space<vmem>>, vector<16xf32>,
    tpu.vector_store %arg13[%swap3A_483, %swap3A_484], %broadcast_in_dim3A_30 {strides = array<i32>} : memref<8x256xf32, #tpu.memory_space<vmem>>, vector<16xf32>,
    %swap3A_486 = arith.constant 7 : i32
    %swap3A_487 = arith.index_cast %swap3A_486 : i32 to index
    %swap3A_488 = arith.constant 32 : index
    %swap3A_489 = tpu.vector_load %arg13[%swap3A_487, %swap3A_488] {strides = array<i32>} : memref<8x256xf32, #tpu.memory_space<vmem>>, vector<16xf32>,
    tpu.vector_store %arg13[%swap3A_487, %swap3A_488], %broadcast_in_dim3A_30 {strides = array<i32>} : memref<8x256xf32, #tpu.memory_space<vmem>>, vector<16xf32>,
    %swap3A_490 = arith.constant 7 : i32
    %swap3A_491 = arith.index_cast %swap3A_490 : i32 to index
    %swap3A_492 = arith.constant 48 : index
    %swap3A_493 = tpu.vector_load %arg13[%swap3A_491, %swap3A_492] {strides = array<i32>} : memref<8x256xf32, #tpu.memory_space<vmem>>, vector<16xf32>,
    tpu.vector_store %arg13[%swap3A_491, %swap3A_492], %broadcast_in_dim3A_30 {strides = array<i32>} : memref<8x256xf32, #tpu.memory_space<vmem>>, vector<16xf32>,
    %swap3A_494 = arith.constant 7 : i32
    %swap3A_495 = arith.index_cast %swap3A_494 : i32 to index
    %swap3A_496 = arith.constant 64 : index
    %swap3A_497 = tpu.vector_load %arg13[%swap3A_495, %swap3A_496] {strides = array<i32>} : memref<8x256xf32, #tpu.memory_space<vmem>>, vector<16xf32>,
    tpu.vector_store %arg13[%swap3A_495, %swap3A_496], %broadcast_in_dim3A_30 {strides = array<i32>} : memref<8x256xf32, #tpu.memory_space<vmem>>, vector<16xf32>,
    %swap3A_498 = arith.constant 7 : i32
    %swap3A_499 = arith.index_cast %swap3A_498 : i32 to index
    %swap3A_500 = arith.constant 80 : index
    %swap3A_501 = tpu.vector_load %arg13[%swap3A_499, %swap3A_500] {strides = array<i32>} : memref<8x256xf32, #tpu.memory_space<vmem>>, vector<16xf32>,
    tpu.vector_store %arg13[%swap3A_499, %swap3A_500], %broadcast_in_dim3A_30 {strides = array<i32>} : memref<8x256xf32, #tpu.memory_space<vmem>>, vector<16xf32>,
    %swap3A_502 = arith.constant 7 : i32
    %swap3A_503 = arith.index_cast %swap3A_502 : i32 to index
    %swap3A_504 = arith.constant 96 : index
    %swap3A_505 = tpu.vector_load %arg13[%swap3A_503, %swap3A_504] {strides = array<i32>} : memref<8x256xf32, #tpu.memory_space<vmem>>, vector<16xf32>,
    tpu.vector_store %arg13[%swap3A_503, %swap3A_504], %broadcast_in_dim3A_30 {strides = array<i32>} : memref<8x256xf32, #tpu.memory_space<vmem>>, vector<16xf32>,
    %swap3A_506 = arith.constant 7 : i32
    %swap3A_507 = arith.index_cast %swap3A_506 : i32 to index
    %swap3A_508 = arith.constant 112 : index
    %swap3A_509 = tpu.vector_load %arg13[%swap3A_507, %swap3A_508] {strides = array<i32>} : memref<8x256xf32, #tpu.memory_space<vmem>>, vector<16xf32>,
    tpu.vector_store %arg13[%swap3A_507, %swap3A_508], %broadcast_in_dim3A_30 {strides = array<i32>} : memref<8x256xf32, #tpu.memory_space<vmem>>, vector<16xf32>,
    %swap3A_510 = arith.constant 7 : i32
    %swap3A_511 = arith.index_cast %swap3A_510 : i32 to index
    %swap3A_512 = arith.constant 128 : index
    %swap3A_513 = tpu.vector_load %arg13[%swap3A_511, %swap3A_512] {strides = array<i32>} : memref<8x256xf32, #tpu.memory_space<vmem>>, vector<16xf32>,
    tpu.vector_store %arg13[%swap3A_511, %swap3A_512], %broadcast_in_dim3A_30 {strides = array<i32>} : memref<8x256xf32, #tpu.memory_space<vmem>>, vector<16xf32>,
    %swap3A_514 = arith.constant 7 : i32
    %swap3A_515 = arith.index_cast %swap3A_514 : i32 to index
    %swap3A_516 = arith.constant 144 : index
    %swap3A_517 = tpu.vector_load %arg13[%swap3A_515, %swap3A_516] {strides = array<i32>} : memref<8x256xf32, #tpu.memory_space<vmem>>, vector<16xf32>,
    tpu.vector_store %arg13[%swap3A_515, %swap3A_516], %broadcast_in_dim3A_30 {strides = array<i32>} : memref<8x256xf32, #tpu.memory_space<vmem>>, vector<16xf32>,
    %swap3A_518 = arith.constant 7 : i32
    %swap3A_519 = arith.index_cast %swap3A_518 : i32 to index
    %swap3A_520 = arith.constant 160 : index
    %swap3A_521 = tpu.vector_load %arg13[%swap3A_519, %swap3A_520] {strides = array<i32>} : memref<8x256xf32, #tpu.memory_space<vmem>>, vector<16xf32>,
    tpu.vector_store %arg13[%swap3A_519, %swap3A_520], %broadcast_in_dim3A_30 {strides = array<i32>} : memref<8x256xf32, #tpu.memory_space<vmem>>, vector<16xf32>,
    %swap3A_522 = arith.constant 7 : i32
    %swap3A_523 = arith.index_cast %swap3A_522 : i32 to index
    %swap3A_524 = arith.constant 176 : index
    %swap3A_525 = tpu.vector_load %arg13[%swap3A_523, %swap3A_524] {strides = array<i32>} : memref<8x256xf32, #tpu.memory_space<vmem>>, vector<16xf32>,
    tpu.vector_store %arg13[%swap3A_523, %swap3A_524], %broadcast_in_dim3A_30 {strides = array<i32>} : memref<8x256xf32, #tpu.memory_space<vmem>>, vector<16xf32>,
    %swap3A_526 = arith.constant 7 : i32
    %swap3A_527 = arith.index_cast %swap3A_526 : i32 to index
    %swap3A_528 = arith.constant 192 : index
    %swap3A_529 = tpu.vector_load %arg13[%swap3A_527, %swap3A_528] {strides = array<i32>} : memref<8x256xf32, #tpu.memory_space<vmem>>, vector<16xf32>,
    tpu.vector_store %arg13[%swap3A_527, %swap3A_528], %broadcast_in_dim3A_30 {strides = array<i32>} : memref<8x256xf32, #tpu.memory_space<vmem>>, vector<16xf32>,
    %swap3A_530 = arith.constant 7 : i32
    %swap3A_531 = arith.index_cast %swap3A_530 : i32 to index
    %swap3A_532 = arith.constant 208 : index
    %swap3A_533 = tpu.vector_load %arg13[%swap3A_531, %swap3A_532] {strides = array<i32>} : memref<8x256xf32, #tpu.memory_space<vmem>>, vector<16xf32>,
    tpu.vector_store %arg13[%swap3A_531, %swap3A_532], %broadcast_in_dim3A_30 {strides = array<i32>} : memref<8x256xf32, #tpu.memory_space<vmem>>, vector<16xf32>,
    %swap3A_534 = arith.constant 7 : i32
    %swap3A_535 = arith.index_cast %swap3A_534 : i32 to index
    %swap3A_536 = arith.constant 224 : index
    %swap3A_537 = tpu.vector_load %arg13[%swap3A_535, %swap3A_536] {strides = array<i32>} : memref<8x256xf32, #tpu.memory_space<vmem>>, vector<16xf32>,
    tpu.vector_store %arg13[%swap3A_535, %swap3A_536], %broadcast_in_dim3A_30 {strides = array<i32>} : memref<8x256xf32, #tpu.memory_space<vmem>>, vector<16xf32>,
    %swap3A_538 = arith.constant 7 : i32
    %swap3A_539 = arith.index_cast %swap3A_538 : i32 to index
    %swap3A_540 = arith.constant 240 : index
    %swap3A_541 = tpu.vector_load %arg13[%swap3A_539, %swap3A_540] {strides = array<i32>} : memref<8x256xf32, #tpu.memory_space<vmem>>, vector<16xf32>,
    tpu.vector_store %arg13[%swap3A_539, %swap3A_540], %broadcast_in_dim3A_30 {strides = array<i32>} : memref<8x256xf32, #tpu.memory_space<vmem>>, vector<16xf32>,
    %dma_wait3A = arith.constant 0 : i32
    %dma_wait3A_542 = arith.constant 0 : i32
    %dma_wait3A_543 = tpu.memref_slice %arg2[%dma_wait3A, %dma_wait3A_542, %mul3A_2] : memref<3x1x32768xf32, #tpu.memory_space<hbm>> -> memref<1x1x2048xf32, #tpu.memory_space<hbm>>
    %dma_wait3A_544 = tpu.memref_squeeze %dma_wait3A_543 : memref<1x1x2048xf32, #tpu.memory_space<hbm>> -> memref<2048xf32, #tpu.memory_space<hbm>>
    %dma_wait3A_545 = tpu.memref_slice %arg2[%dma_wait3A, %dma_wait3A_542, %mul3A_2] : memref<3x1x32768xf32, #tpu.memory_space<hbm>> -> memref<1x1x2048xf32, #tpu.memory_space<hbm>>
    %dma_wait3A_546 = tpu.memref_squeeze %dma_wait3A_545 : memref<1x1x2048xf32, #tpu.memory_space<hbm>> -> memref<2048xf32, #tpu.memory_space<hbm>>
    tpu.wait_dma2 semaphore(%arg15 : memref<!tpu.dma_semaphore, #tpu.memory_space<semaphore_mem>>) src(%dma_wait3A_546 : memref<2048xf32, #tpu.memory_space<hbm>>) dst(%arg7 : memref<2048xf32, #tpu.memory_space<vmem>>)
    %dma_wait3A_547 = arith.constant 1 : i32
    %dma_wait3A_548 = arith.constant 0 : i32
    %dma_wait3A_549 = tpu.memref_slice %arg2[%dma_wait3A_547, %dma_wait3A_548, %mul3A_2] : memref<3x1x32768xf32, #tpu.memory_space<hbm>> -> memref<1x1x2048xf32, #tpu.memory_space<hbm>>
    %dma_wait3A_550 = tpu.memref_squeeze %dma_wait3A_549 : memref<1x1x2048xf32, #tpu.memory_space<hbm>> -> memref<2048xf32, #tpu.memory_space<hbm>>
    %dma_wait3A_551 = tpu.memref_slice %arg2[%dma_wait3A_547, %dma_wait3A_548, %mul3A_2] : memref<3x1x32768xf32, #tpu.memory_space<hbm>> -> memref<1x1x2048xf32, #tpu.memory_space<hbm>>
    %dma_wait3A_552 = tpu.memref_squeeze %dma_wait3A_551 : memref<1x1x2048xf32, #tpu.memory_space<hbm>> -> memref<2048xf32, #tpu.memory_space<hbm>>
    tpu.wait_dma2 semaphore(%arg15 : memref<!tpu.dma_semaphore, #tpu.memory_space<semaphore_mem>>) src(%dma_wait3A_552 : memref<2048xf32, #tpu.memory_space<hbm>>) dst(%arg8 : memref<2048xf32, #tpu.memory_space<vmem>>)
    %dma_wait3A_553 = arith.constant 2 : i32
    %dma_wait3A_554 = arith.constant 0 : i32
    %dma_wait3A_555 = tpu.memref_slice %arg2[%dma_wait3A_553, %dma_wait3A_554, %mul3A_2] : memref<3x1x32768xf32, #tpu.memory_space<hbm>> -> memref<1x1x2048xf32, #tpu.memory_space<hbm>>
    %dma_wait3A_556 = tpu.memref_squeeze %dma_wait3A_555 : memref<1x1x2048xf32, #tpu.memory_space<hbm>> -> memref<2048xf32, #tpu.memory_space<hbm>>
    %dma_wait3A_557 = tpu.memref_slice %arg2[%dma_wait3A_553, %dma_wait3A_554, %mul3A_2] : memref<3x1x32768xf32, #tpu.memory_space<hbm>> -> memref<1x1x2048xf32, #tpu.memory_space<hbm>>
    %dma_wait3A_558 = tpu.memref_squeeze %dma_wait3A_557 : memref<1x1x2048xf32, #tpu.memory_space<hbm>> -> memref<2048xf32, #tpu.memory_space<hbm>>
    tpu.wait_dma2 semaphore(%arg15 : memref<!tpu.dma_semaphore, #tpu.memory_space<semaphore_mem>>) src(%dma_wait3A_558 : memref<2048xf32, #tpu.memory_space<hbm>>) dst(%arg9 : memref<2048xf32, #tpu.memory_space<vmem>>)
    %dma_wait3A_559 = arith.constant 0 : i32
    %dma_wait3A_560 = tpu.memref_slice %arg3[%dma_wait3A_559, %mul3A_2] : memref<1x32768xi32, #tpu.memory_space<hbm>> -> memref<1x2048xi32, #tpu.memory_space<hbm>>
    %dma_wait3A_561 = tpu.memref_squeeze %dma_wait3A_560 : memref<1x2048xi32, #tpu.memory_space<hbm>> -> memref<2048xi32, #tpu.memory_space<hbm>>
    %dma_wait3A_562 = tpu.memref_slice %arg3[%dma_wait3A_559, %mul3A_2] : memref<1x32768xi32, #tpu.memory_space<hbm>> -> memref<1x2048xi32, #tpu.memory_space<hbm>>
    %dma_wait3A_563 = tpu.memref_squeeze %dma_wait3A_562 : memref<1x2048xi32, #tpu.memory_space<hbm>> -> memref<2048xi32, #tpu.memory_space<hbm>>
    tpu.wait_dma2 semaphore(%arg15 : memref<!tpu.dma_semaphore, #tpu.memory_space<semaphore_mem>>) src(%dma_wait3A_563 : memref<2048xi32, #tpu.memory_space<hbm>>) dst(%arg10 : memref<2048xi32, #tpu.memory_space<vmem>>)
    %dma_wait3A_564 = arith.constant 0 : i32
    %dma_wait3A_565 = tpu.memref_slice %arg4[%dma_wait3A_564, %mul3A_2] : memref<1x32768xi32, #tpu.memory_space<hbm>> -> memref<1x2048xi32, #tpu.memory_space<hbm>>
    %dma_wait3A_566 = tpu.memref_squeeze %dma_wait3A_565 : memref<1x2048xi32, #tpu.memory_space<hbm>> -> memref<2048xi32, #tpu.memory_space<hbm>>
    %dma_wait3A_567 = tpu.memref_slice %arg4[%dma_wait3A_564, %mul3A_2] : memref<1x32768xi32, #tpu.memory_space<hbm>> -> memref<1x2048xi32, #tpu.memory_space<hbm>>
    %dma_wait3A_568 = tpu.memref_squeeze %dma_wait3A_567 : memref<1x2048xi32, #tpu.memory_space<hbm>> -> memref<2048xi32, #tpu.memory_space<hbm>>
    tpu.wait_dma2 semaphore(%arg15 : memref<!tpu.dma_semaphore, #tpu.memory_space<semaphore_mem>>) src(%dma_wait3A_568 : memref<2048xi32, #tpu.memory_space<hbm>>) dst(%arg11 : memref<2048xi32, #tpu.memory_space<vmem>>)
    tpu.wait_dma2 semaphore(%arg15 : memref<!tpu.dma_semaphore, #tpu.memory_space<semaphore_mem>>) src(%arg5 : memref<128xf32, #tpu.memory_space<hbm>>) dst(%arg12 : memref<128xf32, #tpu.memory_space<vmem>>)
    %iota3A = tpu.iota {dimensions = array<i32: 0>} : vector<16xi32>
    %mul3A_569 = arith.constant 16 : i32
    %mul3A_570 = vector.broadcast %mul3A_569 : i32 to vector<16xi32>
    %mul3A_571 = arith.muli %iota3A, %mul3A_570 : vector<16xi32>
    %scan3A = arith.constant 0 : i32
    %scan3A_572 = arith.constant 0 : i32
    %scan3A_573 = arith.constant 64 : i32
    %scan3A_574 = arith.addi %scan3A_572, %scan3A_573 : i32
    %scan3A_575 = arith.constant 1 : i32
    scf.for %scan3A_1228 = %scan3A_572 to %scan3A_574 step %scan3A_575  : i32 {
      %mul3A_1229 = arith.constant 2 : i32
      %mul3A_1230 = arith.muli %mul3A_1229, %scan3A_1228 : i32
      %add3A_1231 = arith.constant 0 : i32
      %add3A_1232 = arith.addi %mul3A_1230, %add3A_1231 : i32
      %mul3A_1233 = arith.constant 16 : i32
      %mul3A_1234 = arith.muli %add3A_1232, %mul3A_1233 : i32
      %get3A_1235 = arith.index_cast %mul3A_1234 : i32 to index
      %get3A_1236 = tpu.vector_load %arg10[%get3A_1235] {strides = array<i32>} : memref<2048xi32, #tpu.memory_space<vmem>>, vector<16xi32>,
      %get3A_1237 = arith.index_cast %mul3A_1234 : i32 to index
      %get3A_1238 = tpu.vector_load %arg11[%get3A_1237] {strides = array<i32>} : memref<2048xi32, #tpu.memory_space<vmem>>, vector<16xi32>,
      %get3A_1239 = arith.index_cast %mul3A_1234 : i32 to index
      %get3A_1240 = tpu.vector_load %arg7[%get3A_1239] {strides = array<i32>} : memref<2048xf32, #tpu.memory_space<vmem>>, vector<16xf32>,
      %get3A_1241 = arith.index_cast %mul3A_1234 : i32 to index
      %get3A_1242 = tpu.vector_load %arg8[%get3A_1241] {strides = array<i32>} : memref<2048xf32, #tpu.memory_space<vmem>>, vector<16xf32>,
      %get3A_1243 = arith.index_cast %mul3A_1234 : i32 to index
      %get3A_1244 = tpu.vector_load %arg9[%get3A_1243] {strides = array<i32>} : memref<2048xf32, #tpu.memory_space<vmem>>, vector<16xf32>,
      %gather3A = tpu.vector_load_idx %arg12[%get3A_1236] : memref<128xf32, #tpu.memory_space<vmem>>[vector<16xi32>], vector<16xf32>,
      %add3A_1245 = arith.addi %mul3A_571, %get3A_1238 : vector<16xi32>
      %mul3A_1246 = arith.mulf %gather3A, %get3A_1240 : vector<16xf32>
      %mul3A_1247 = arith.mulf %gather3A, %get3A_1242 : vector<16xf32>
      %mul3A_1248 = arith.mulf %gather3A, %get3A_1244 : vector<16xf32>
      %broadcast_in_dim3A_1249 = arith.constant 0 : i32
      %broadcast_in_dim3A_1250 = vector.broadcast %broadcast_in_dim3A_1249 : i32 to vector<16xi32>
      tpu.vector_store_idx %arg13[%broadcast_in_dim3A_1250, %add3A_1245], %gather3A {add = true} : memref<8x256xf32, #tpu.memory_space<vmem>>[vector<16xi32>, vector<16xi32>], vector<16xf32>,
      %broadcast_in_dim3A_1251 = arith.constant 1 : i32
      %broadcast_in_dim3A_1252 = vector.broadcast %broadcast_in_dim3A_1251 : i32 to vector<16xi32>
      tpu.vector_store_idx %arg13[%broadcast_in_dim3A_1252, %add3A_1245], %mul3A_1246 {add = true} : memref<8x256xf32, #tpu.memory_space<vmem>>[vector<16xi32>, vector<16xi32>], vector<16xf32>,
      %broadcast_in_dim3A_1253 = arith.constant 2 : i32
      %broadcast_in_dim3A_1254 = vector.broadcast %broadcast_in_dim3A_1253 : i32 to vector<16xi32>
      tpu.vector_store_idx %arg13[%broadcast_in_dim3A_1254, %add3A_1245], %mul3A_1247 {add = true} : memref<8x256xf32, #tpu.memory_space<vmem>>[vector<16xi32>, vector<16xi32>], vector<16xf32>,
      %broadcast_in_dim3A_1255 = arith.constant 3 : i32
      %broadcast_in_dim3A_1256 = vector.broadcast %broadcast_in_dim3A_1255 : i32 to vector<16xi32>
      tpu.vector_store_idx %arg13[%broadcast_in_dim3A_1256, %add3A_1245], %mul3A_1248 {add = true} : memref<8x256xf32, #tpu.memory_space<vmem>>[vector<16xi32>, vector<16xi32>], vector<16xf32>,
      %mul3A_1257 = arith.constant 2 : i32
      %mul3A_1258 = arith.muli %mul3A_1257, %scan3A_1228 : i32
      %add3A_1259 = arith.constant 1 : i32
      %add3A_1260 = arith.addi %mul3A_1258, %add3A_1259 : i32
      %mul3A_1261 = arith.constant 16 : i32
      %mul3A_1262 = arith.muli %add3A_1260, %mul3A_1261 : i32
      %get3A_1263 = arith.index_cast %mul3A_1262 : i32 to index
      %get3A_1264 = tpu.vector_load %arg10[%get3A_1263] {strides = array<i32>} : memref<2048xi32, #tpu.memory_space<vmem>>, vector<16xi32>,
      %get3A_1265 = arith.index_cast %mul3A_1262 : i32 to index
      %get3A_1266 = tpu.vector_load %arg11[%get3A_1265] {strides = array<i32>} : memref<2048xi32, #tpu.memory_space<vmem>>, vector<16xi32>,
      %get3A_1267 = arith.index_cast %mul3A_1262 : i32 to index
      %get3A_1268 = tpu.vector_load %arg7[%get3A_1267] {strides = array<i32>} : memref<2048xf32, #tpu.memory_space<vmem>>, vector<16xf32>,
      %get3A_1269 = arith.index_cast %mul3A_1262 : i32 to index
      %get3A_1270 = tpu.vector_load %arg8[%get3A_1269] {strides = array<i32>} : memref<2048xf32, #tpu.memory_space<vmem>>, vector<16xf32>,
      %get3A_1271 = arith.index_cast %mul3A_1262 : i32 to index
      %get3A_1272 = tpu.vector_load %arg9[%get3A_1271] {strides = array<i32>} : memref<2048xf32, #tpu.memory_space<vmem>>, vector<16xf32>,
      %gather3A_1273 = tpu.vector_load_idx %arg12[%get3A_1264] : memref<128xf32, #tpu.memory_space<vmem>>[vector<16xi32>], vector<16xf32>,
      %add3A_1274 = arith.addi %mul3A_571, %get3A_1266 : vector<16xi32>
      %mul3A_1275 = arith.mulf %gather3A_1273, %get3A_1268 : vector<16xf32>
      %mul3A_1276 = arith.mulf %gather3A_1273, %get3A_1270 : vector<16xf32>
      %mul3A_1277 = arith.mulf %gather3A_1273, %get3A_1272 : vector<16xf32>
      %broadcast_in_dim3A_1278 = arith.constant 4 : i32
      %broadcast_in_dim3A_1279 = vector.broadcast %broadcast_in_dim3A_1278 : i32 to vector<16xi32>
      tpu.vector_store_idx %arg13[%broadcast_in_dim3A_1279, %add3A_1274], %gather3A_1273 {add = true} : memref<8x256xf32, #tpu.memory_space<vmem>>[vector<16xi32>, vector<16xi32>], vector<16xf32>,
      %broadcast_in_dim3A_1280 = arith.constant 5 : i32
      %broadcast_in_dim3A_1281 = vector.broadcast %broadcast_in_dim3A_1280 : i32 to vector<16xi32>
      tpu.vector_store_idx %arg13[%broadcast_in_dim3A_1281, %add3A_1274], %mul3A_1275 {add = true} : memref<8x256xf32, #tpu.memory_space<vmem>>[vector<16xi32>, vector<16xi32>], vector<16xf32>,
      %broadcast_in_dim3A_1282 = arith.constant 6 : i32
      %broadcast_in_dim3A_1283 = vector.broadcast %broadcast_in_dim3A_1282 : i32 to vector<16xi32>
      tpu.vector_store_idx %arg13[%broadcast_in_dim3A_1283, %add3A_1274], %mul3A_1276 {add = true} : memref<8x256xf32, #tpu.memory_space<vmem>>[vector<16xi32>, vector<16xi32>], vector<16xf32>,
      %broadcast_in_dim3A_1284 = arith.constant 7 : i32
      %broadcast_in_dim3A_1285 = vector.broadcast %broadcast_in_dim3A_1284 : i32 to vector<16xi32>
      tpu.vector_store_idx %arg13[%broadcast_in_dim3A_1285, %add3A_1274], %mul3A_1277 {add = true} : memref<8x256xf32, #tpu.memory_space<vmem>>[vector<16xi32>, vector<16xi32>], vector<16xf32>,
    }
    %scan3A_576 = arith.constant 64 : i32
    %get3A = arith.constant 0 : i32
    %get3A_577 = arith.index_cast %get3A : i32 to index
    %get3A_578 = arith.constant 0 : index
    %get3A_579 = tpu.vector_load %arg13[%get3A_577, %get3A_578] {strides = array<i32>} : memref<8x256xf32, #tpu.memory_space<vmem>>, vector<16xf32>,
    %get3A_580 = arith.constant 4 : i32
    %get3A_581 = arith.index_cast %get3A_580 : i32 to index
    %get3A_582 = arith.constant 0 : index
    %get3A_583 = tpu.vector_load %arg13[%get3A_581, %get3A_582] {strides = array<i32>} : memref<8x256xf32, #tpu.memory_space<vmem>>, vector<16xf32>,
    %add3A_584 = arith.addf %get3A_579, %get3A_583 : vector<16xf32>
    %get3A_585 = arith.constant 0 : i32
    %get3A_586 = arith.index_cast %get3A_585 : i32 to index
    %get3A_587 = arith.constant 16 : index
    %get3A_588 = tpu.vector_load %arg13[%get3A_586, %get3A_587] {strides = array<i32>} : memref<8x256xf32, #tpu.memory_space<vmem>>, vector<16xf32>,
    %get3A_589 = arith.constant 4 : i32
    %get3A_590 = arith.index_cast %get3A_589 : i32 to index
    %get3A_591 = arith.constant 16 : index
    %get3A_592 = tpu.vector_load %arg13[%get3A_590, %get3A_591] {strides = array<i32>} : memref<8x256xf32, #tpu.memory_space<vmem>>, vector<16xf32>,
    %add3A_593 = arith.addf %get3A_588, %get3A_592 : vector<16xf32>
    %add3A_594 = arith.addf %add3A_584, %add3A_593 : vector<16xf32>
    %get3A_595 = arith.constant 0 : i32
    %get3A_596 = arith.index_cast %get3A_595 : i32 to index
    %get3A_597 = arith.constant 32 : index
    %get3A_598 = tpu.vector_load %arg13[%get3A_596, %get3A_597] {strides = array<i32>} : memref<8x256xf32, #tpu.memory_space<vmem>>, vector<16xf32>,
    %get3A_599 = arith.constant 4 : i32
    %get3A_600 = arith.index_cast %get3A_599 : i32 to index
    %get3A_601 = arith.constant 32 : index
    %get3A_602 = tpu.vector_load %arg13[%get3A_600, %get3A_601] {strides = array<i32>} : memref<8x256xf32, #tpu.memory_space<vmem>>, vector<16xf32>,
    %add3A_603 = arith.addf %get3A_598, %get3A_602 : vector<16xf32>
    %add3A_604 = arith.addf %add3A_594, %add3A_603 : vector<16xf32>
    %get3A_605 = arith.constant 0 : i32
    %get3A_606 = arith.index_cast %get3A_605 : i32 to index
    %get3A_607 = arith.constant 48 : index
    %get3A_608 = tpu.vector_load %arg13[%get3A_606, %get3A_607] {strides = array<i32>} : memref<8x256xf32, #tpu.memory_space<vmem>>, vector<16xf32>,
    %get3A_609 = arith.constant 4 : i32
    %get3A_610 = arith.index_cast %get3A_609 : i32 to index
    %get3A_611 = arith.constant 48 : index
    %get3A_612 = tpu.vector_load %arg13[%get3A_610, %get3A_611] {strides = array<i32>} : memref<8x256xf32, #tpu.memory_space<vmem>>, vector<16xf32>,
    %add3A_613 = arith.addf %get3A_608, %get3A_612 : vector<16xf32>
    %add3A_614 = arith.addf %add3A_604, %add3A_613 : vector<16xf32>
    %get3A_615 = arith.constant 0 : i32
    %get3A_616 = arith.index_cast %get3A_615 : i32 to index
    %get3A_617 = arith.constant 64 : index
    %get3A_618 = tpu.vector_load %arg13[%get3A_616, %get3A_617] {strides = array<i32>} : memref<8x256xf32, #tpu.memory_space<vmem>>, vector<16xf32>,
    %get3A_619 = arith.constant 4 : i32
    %get3A_620 = arith.index_cast %get3A_619 : i32 to index
    %get3A_621 = arith.constant 64 : index
    %get3A_622 = tpu.vector_load %arg13[%get3A_620, %get3A_621] {strides = array<i32>} : memref<8x256xf32, #tpu.memory_space<vmem>>, vector<16xf32>,
    %add3A_623 = arith.addf %get3A_618, %get3A_622 : vector<16xf32>
    %add3A_624 = arith.addf %add3A_614, %add3A_623 : vector<16xf32>
    %get3A_625 = arith.constant 0 : i32
    %get3A_626 = arith.index_cast %get3A_625 : i32 to index
    %get3A_627 = arith.constant 80 : index
    %get3A_628 = tpu.vector_load %arg13[%get3A_626, %get3A_627] {strides = array<i32>} : memref<8x256xf32, #tpu.memory_space<vmem>>, vector<16xf32>,
    %get3A_629 = arith.constant 4 : i32
    %get3A_630 = arith.index_cast %get3A_629 : i32 to index
    %get3A_631 = arith.constant 80 : index
    %get3A_632 = tpu.vector_load %arg13[%get3A_630, %get3A_631] {strides = array<i32>} : memref<8x256xf32, #tpu.memory_space<vmem>>, vector<16xf32>,
    %add3A_633 = arith.addf %get3A_628, %get3A_632 : vector<16xf32>
    %add3A_634 = arith.addf %add3A_624, %add3A_633 : vector<16xf32>
    %get3A_635 = arith.constant 0 : i32
    %get3A_636 = arith.index_cast %get3A_635 : i32 to index
    %get3A_637 = arith.constant 96 : index
    %get3A_638 = tpu.vector_load %arg13[%get3A_636, %get3A_637] {strides = array<i32>} : memref<8x256xf32, #tpu.memory_space<vmem>>, vector<16xf32>,
    %get3A_639 = arith.constant 4 : i32
    %get3A_640 = arith.index_cast %get3A_639 : i32 to index
    %get3A_641 = arith.constant 96 : index
    %get3A_642 = tpu.vector_load %arg13[%get3A_640, %get3A_641] {strides = array<i32>} : memref<8x256xf32, #tpu.memory_space<vmem>>, vector<16xf32>,
    %add3A_643 = arith.addf %get3A_638, %get3A_642 : vector<16xf32>
    %add3A_644 = arith.addf %add3A_634, %add3A_643 : vector<16xf32>
    %get3A_645 = arith.constant 0 : i32
    %get3A_646 = arith.index_cast %get3A_645 : i32 to index
    %get3A_647 = arith.constant 112 : index
    %get3A_648 = tpu.vector_load %arg13[%get3A_646, %get3A_647] {strides = array<i32>} : memref<8x256xf32, #tpu.memory_space<vmem>>, vector<16xf32>,
    %get3A_649 = arith.constant 4 : i32
    %get3A_650 = arith.index_cast %get3A_649 : i32 to index
    %get3A_651 = arith.constant 112 : index
    %get3A_652 = tpu.vector_load %arg13[%get3A_650, %get3A_651] {strides = array<i32>} : memref<8x256xf32, #tpu.memory_space<vmem>>, vector<16xf32>,
    %add3A_653 = arith.addf %get3A_648, %get3A_652 : vector<16xf32>
    %add3A_654 = arith.addf %add3A_644, %add3A_653 : vector<16xf32>
    %get3A_655 = arith.constant 0 : i32
    %get3A_656 = arith.index_cast %get3A_655 : i32 to index
    %get3A_657 = arith.constant 128 : index
    %get3A_658 = tpu.vector_load %arg13[%get3A_656, %get3A_657] {strides = array<i32>} : memref<8x256xf32, #tpu.memory_space<vmem>>, vector<16xf32>,
    %get3A_659 = arith.constant 4 : i32
    %get3A_660 = arith.index_cast %get3A_659 : i32 to index
    %get3A_661 = arith.constant 128 : index
    %get3A_662 = tpu.vector_load %arg13[%get3A_660, %get3A_661] {strides = array<i32>} : memref<8x256xf32, #tpu.memory_space<vmem>>, vector<16xf32>,
    %add3A_663 = arith.addf %get3A_658, %get3A_662 : vector<16xf32>
    %add3A_664 = arith.addf %add3A_654, %add3A_663 : vector<16xf32>
    %get3A_665 = arith.constant 0 : i32
    %get3A_666 = arith.index_cast %get3A_665 : i32 to index
    %get3A_667 = arith.constant 144 : index
    %get3A_668 = tpu.vector_load %arg13[%get3A_666, %get3A_667] {strides = array<i32>} : memref<8x256xf32, #tpu.memory_space<vmem>>, vector<16xf32>,
    %get3A_669 = arith.constant 4 : i32
    %get3A_670 = arith.index_cast %get3A_669 : i32 to index
    %get3A_671 = arith.constant 144 : index
    %get3A_672 = tpu.vector_load %arg13[%get3A_670, %get3A_671] {strides = array<i32>} : memref<8x256xf32, #tpu.memory_space<vmem>>, vector<16xf32>,
    %add3A_673 = arith.addf %get3A_668, %get3A_672 : vector<16xf32>
    %add3A_674 = arith.addf %add3A_664, %add3A_673 : vector<16xf32>
    %get3A_675 = arith.constant 0 : i32
    %get3A_676 = arith.index_cast %get3A_675 : i32 to index
    %get3A_677 = arith.constant 160 : index
    %get3A_678 = tpu.vector_load %arg13[%get3A_676, %get3A_677] {strides = array<i32>} : memref<8x256xf32, #tpu.memory_space<vmem>>, vector<16xf32>,
    %get3A_679 = arith.constant 4 : i32
    %get3A_680 = arith.index_cast %get3A_679 : i32 to index
    %get3A_681 = arith.constant 160 : index
    %get3A_682 = tpu.vector_load %arg13[%get3A_680, %get3A_681] {strides = array<i32>} : memref<8x256xf32, #tpu.memory_space<vmem>>, vector<16xf32>,
    %add3A_683 = arith.addf %get3A_678, %get3A_682 : vector<16xf32>
    %add3A_684 = arith.addf %add3A_674, %add3A_683 : vector<16xf32>
    %get3A_685 = arith.constant 0 : i32
    %get3A_686 = arith.index_cast %get3A_685 : i32 to index
    %get3A_687 = arith.constant 176 : index
    %get3A_688 = tpu.vector_load %arg13[%get3A_686, %get3A_687] {strides = array<i32>} : memref<8x256xf32, #tpu.memory_space<vmem>>, vector<16xf32>,
    %get3A_689 = arith.constant 4 : i32
    %get3A_690 = arith.index_cast %get3A_689 : i32 to index
    %get3A_691 = arith.constant 176 : index
    %get3A_692 = tpu.vector_load %arg13[%get3A_690, %get3A_691] {strides = array<i32>} : memref<8x256xf32, #tpu.memory_space<vmem>>, vector<16xf32>,
    %add3A_693 = arith.addf %get3A_688, %get3A_692 : vector<16xf32>
    %add3A_694 = arith.addf %add3A_684, %add3A_693 : vector<16xf32>
    %get3A_695 = arith.constant 0 : i32
    %get3A_696 = arith.index_cast %get3A_695 : i32 to index
    %get3A_697 = arith.constant 192 : index
    %get3A_698 = tpu.vector_load %arg13[%get3A_696, %get3A_697] {strides = array<i32>} : memref<8x256xf32, #tpu.memory_space<vmem>>, vector<16xf32>,
    %get3A_699 = arith.constant 4 : i32
    %get3A_700 = arith.index_cast %get3A_699 : i32 to index
    %get3A_701 = arith.constant 192 : index
    %get3A_702 = tpu.vector_load %arg13[%get3A_700, %get3A_701] {strides = array<i32>} : memref<8x256xf32, #tpu.memory_space<vmem>>, vector<16xf32>,
    %add3A_703 = arith.addf %get3A_698, %get3A_702 : vector<16xf32>
    %add3A_704 = arith.addf %add3A_694, %add3A_703 : vector<16xf32>
    %get3A_705 = arith.constant 0 : i32
    %get3A_706 = arith.index_cast %get3A_705 : i32 to index
    %get3A_707 = arith.constant 208 : index
    %get3A_708 = tpu.vector_load %arg13[%get3A_706, %get3A_707] {strides = array<i32>} : memref<8x256xf32, #tpu.memory_space<vmem>>, vector<16xf32>,
    %get3A_709 = arith.constant 4 : i32
    %get3A_710 = arith.index_cast %get3A_709 : i32 to index
    %get3A_711 = arith.constant 208 : index
    %get3A_712 = tpu.vector_load %arg13[%get3A_710, %get3A_711] {strides = array<i32>} : memref<8x256xf32, #tpu.memory_space<vmem>>, vector<16xf32>,
    %add3A_713 = arith.addf %get3A_708, %get3A_712 : vector<16xf32>
    %add3A_714 = arith.addf %add3A_704, %add3A_713 : vector<16xf32>
    %get3A_715 = arith.constant 0 : i32
    %get3A_716 = arith.index_cast %get3A_715 : i32 to index
    %get3A_717 = arith.constant 224 : index
    %get3A_718 = tpu.vector_load %arg13[%get3A_716, %get3A_717] {strides = array<i32>} : memref<8x256xf32, #tpu.memory_space<vmem>>, vector<16xf32>,
    %get3A_719 = arith.constant 4 : i32
    %get3A_720 = arith.index_cast %get3A_719 : i32 to index
    %get3A_721 = arith.constant 224 : index
    %get3A_722 = tpu.vector_load %arg13[%get3A_720, %get3A_721] {strides = array<i32>} : memref<8x256xf32, #tpu.memory_space<vmem>>, vector<16xf32>,
    %add3A_723 = arith.addf %get3A_718, %get3A_722 : vector<16xf32>
    %add3A_724 = arith.addf %add3A_714, %add3A_723 : vector<16xf32>
    %get3A_725 = arith.constant 0 : i32
    %get3A_726 = arith.index_cast %get3A_725 : i32 to index
    %get3A_727 = arith.constant 240 : index
    %get3A_728 = tpu.vector_load %arg13[%get3A_726, %get3A_727] {strides = array<i32>} : memref<8x256xf32, #tpu.memory_space<vmem>>, vector<16xf32>,
    %get3A_729 = arith.constant 4 : i32
    %get3A_730 = arith.index_cast %get3A_729 : i32 to index
    %get3A_731 = arith.constant 240 : index
    %get3A_732 = tpu.vector_load %arg13[%get3A_730, %get3A_731] {strides = array<i32>} : memref<8x256xf32, #tpu.memory_space<vmem>>, vector<16xf32>,
    %add3A_733 = arith.addf %get3A_728, %get3A_732 : vector<16xf32>
    %add3A_734 = arith.addf %add3A_724, %add3A_733 : vector<16xf32>
    %swap3A_735 = arith.constant 0 : i32
    %swap3A_736 = arith.index_cast %swap3A_735 : i32 to index
    %swap3A_737 = arith.constant 0 : index
    %swap3A_738 = tpu.vector_load %arg14[%swap3A_736, %swap3A_737] {strides = array<i32>} : memref<4x16xf32, #tpu.memory_space<vmem>>, vector<16xf32>,
    tpu.vector_store %arg14[%swap3A_736, %swap3A_737], %add3A_734 {strides = array<i32>} : memref<4x16xf32, #tpu.memory_space<vmem>>, vector<16xf32>,
    %get3A_739 = arith.constant 1 : i32
    %get3A_740 = arith.index_cast %get3A_739 : i32 to index
    %get3A_741 = arith.constant 0 : index
    %get3A_742 = tpu.vector_load %arg13[%get3A_740, %get3A_741] {strides = array<i32>} : memref<8x256xf32, #tpu.memory_space<vmem>>, vector<16xf32>,
    %get3A_743 = arith.constant 5 : i32
    %get3A_744 = arith.index_cast %get3A_743 : i32 to index
    %get3A_745 = arith.constant 0 : index
    %get3A_746 = tpu.vector_load %arg13[%get3A_744, %get3A_745] {strides = array<i32>} : memref<8x256xf32, #tpu.memory_space<vmem>>, vector<16xf32>,
    %add3A_747 = arith.addf %get3A_742, %get3A_746 : vector<16xf32>
    %get3A_748 = arith.constant 1 : i32
    %get3A_749 = arith.index_cast %get3A_748 : i32 to index
    %get3A_750 = arith.constant 16 : index
    %get3A_751 = tpu.vector_load %arg13[%get3A_749, %get3A_750] {strides = array<i32>} : memref<8x256xf32, #tpu.memory_space<vmem>>, vector<16xf32>,
    %get3A_752 = arith.constant 5 : i32
    %get3A_753 = arith.index_cast %get3A_752 : i32 to index
    %get3A_754 = arith.constant 16 : index
    %get3A_755 = tpu.vector_load %arg13[%get3A_753, %get3A_754] {strides = array<i32>} : memref<8x256xf32, #tpu.memory_space<vmem>>, vector<16xf32>,
    %add3A_756 = arith.addf %get3A_751, %get3A_755 : vector<16xf32>
    %add3A_757 = arith.addf %add3A_747, %add3A_756 : vector<16xf32>
    %get3A_758 = arith.constant 1 : i32
    %get3A_759 = arith.index_cast %get3A_758 : i32 to index
    %get3A_760 = arith.constant 32 : index
    %get3A_761 = tpu.vector_load %arg13[%get3A_759, %get3A_760] {strides = array<i32>} : memref<8x256xf32, #tpu.memory_space<vmem>>, vector<16xf32>,
    %get3A_762 = arith.constant 5 : i32
    %get3A_763 = arith.index_cast %get3A_762 : i32 to index
    %get3A_764 = arith.constant 32 : index
    %get3A_765 = tpu.vector_load %arg13[%get3A_763, %get3A_764] {strides = array<i32>} : memref<8x256xf32, #tpu.memory_space<vmem>>, vector<16xf32>,
    %add3A_766 = arith.addf %get3A_761, %get3A_765 : vector<16xf32>
    %add3A_767 = arith.addf %add3A_757, %add3A_766 : vector<16xf32>
    %get3A_768 = arith.constant 1 : i32
    %get3A_769 = arith.index_cast %get3A_768 : i32 to index
    %get3A_770 = arith.constant 48 : index
    %get3A_771 = tpu.vector_load %arg13[%get3A_769, %get3A_770] {strides = array<i32>} : memref<8x256xf32, #tpu.memory_space<vmem>>, vector<16xf32>,
    %get3A_772 = arith.constant 5 : i32
    %get3A_773 = arith.index_cast %get3A_772 : i32 to index
    %get3A_774 = arith.constant 48 : index
    %get3A_775 = tpu.vector_load %arg13[%get3A_773, %get3A_774] {strides = array<i32>} : memref<8x256xf32, #tpu.memory_space<vmem>>, vector<16xf32>,
    %add3A_776 = arith.addf %get3A_771, %get3A_775 : vector<16xf32>
    %add3A_777 = arith.addf %add3A_767, %add3A_776 : vector<16xf32>
    %get3A_778 = arith.constant 1 : i32
    %get3A_779 = arith.index_cast %get3A_778 : i32 to index
    %get3A_780 = arith.constant 64 : index
    %get3A_781 = tpu.vector_load %arg13[%get3A_779, %get3A_780] {strides = array<i32>} : memref<8x256xf32, #tpu.memory_space<vmem>>, vector<16xf32>,
    %get3A_782 = arith.constant 5 : i32
    %get3A_783 = arith.index_cast %get3A_782 : i32 to index
    %get3A_784 = arith.constant 64 : index
    %get3A_785 = tpu.vector_load %arg13[%get3A_783, %get3A_784] {strides = array<i32>} : memref<8x256xf32, #tpu.memory_space<vmem>>, vector<16xf32>,
    %add3A_786 = arith.addf %get3A_781, %get3A_785 : vector<16xf32>
    %add3A_787 = arith.addf %add3A_777, %add3A_786 : vector<16xf32>
    %get3A_788 = arith.constant 1 : i32
    %get3A_789 = arith.index_cast %get3A_788 : i32 to index
    %get3A_790 = arith.constant 80 : index
    %get3A_791 = tpu.vector_load %arg13[%get3A_789, %get3A_790] {strides = array<i32>} : memref<8x256xf32, #tpu.memory_space<vmem>>, vector<16xf32>,
    %get3A_792 = arith.constant 5 : i32
    %get3A_793 = arith.index_cast %get3A_792 : i32 to index
    %get3A_794 = arith.constant 80 : index
    %get3A_795 = tpu.vector_load %arg13[%get3A_793, %get3A_794] {strides = array<i32>} : memref<8x256xf32, #tpu.memory_space<vmem>>, vector<16xf32>,
    %add3A_796 = arith.addf %get3A_791, %get3A_795 : vector<16xf32>
    %add3A_797 = arith.addf %add3A_787, %add3A_796 : vector<16xf32>
    %get3A_798 = arith.constant 1 : i32
    %get3A_799 = arith.index_cast %get3A_798 : i32 to index
    %get3A_800 = arith.constant 96 : index
    %get3A_801 = tpu.vector_load %arg13[%get3A_799, %get3A_800] {strides = array<i32>} : memref<8x256xf32, #tpu.memory_space<vmem>>, vector<16xf32>,
    %get3A_802 = arith.constant 5 : i32
    %get3A_803 = arith.index_cast %get3A_802 : i32 to index
    %get3A_804 = arith.constant 96 : index
    %get3A_805 = tpu.vector_load %arg13[%get3A_803, %get3A_804] {strides = array<i32>} : memref<8x256xf32, #tpu.memory_space<vmem>>, vector<16xf32>,
    %add3A_806 = arith.addf %get3A_801, %get3A_805 : vector<16xf32>
    %add3A_807 = arith.addf %add3A_797, %add3A_806 : vector<16xf32>
    %get3A_808 = arith.constant 1 : i32
    %get3A_809 = arith.index_cast %get3A_808 : i32 to index
    %get3A_810 = arith.constant 112 : index
    %get3A_811 = tpu.vector_load %arg13[%get3A_809, %get3A_810] {strides = array<i32>} : memref<8x256xf32, #tpu.memory_space<vmem>>, vector<16xf32>,
    %get3A_812 = arith.constant 5 : i32
    %get3A_813 = arith.index_cast %get3A_812 : i32 to index
    %get3A_814 = arith.constant 112 : index
    %get3A_815 = tpu.vector_load %arg13[%get3A_813, %get3A_814] {strides = array<i32>} : memref<8x256xf32, #tpu.memory_space<vmem>>, vector<16xf32>,
    %add3A_816 = arith.addf %get3A_811, %get3A_815 : vector<16xf32>
    %add3A_817 = arith.addf %add3A_807, %add3A_816 : vector<16xf32>
    %get3A_818 = arith.constant 1 : i32
    %get3A_819 = arith.index_cast %get3A_818 : i32 to index
    %get3A_820 = arith.constant 128 : index
    %get3A_821 = tpu.vector_load %arg13[%get3A_819, %get3A_820] {strides = array<i32>} : memref<8x256xf32, #tpu.memory_space<vmem>>, vector<16xf32>,
    %get3A_822 = arith.constant 5 : i32
    %get3A_823 = arith.index_cast %get3A_822 : i32 to index
    %get3A_824 = arith.constant 128 : index
    %get3A_825 = tpu.vector_load %arg13[%get3A_823, %get3A_824] {strides = array<i32>} : memref<8x256xf32, #tpu.memory_space<vmem>>, vector<16xf32>,
    %add3A_826 = arith.addf %get3A_821, %get3A_825 : vector<16xf32>
    %add3A_827 = arith.addf %add3A_817, %add3A_826 : vector<16xf32>
    %get3A_828 = arith.constant 1 : i32
    %get3A_829 = arith.index_cast %get3A_828 : i32 to index
    %get3A_830 = arith.constant 144 : index
    %get3A_831 = tpu.vector_load %arg13[%get3A_829, %get3A_830] {strides = array<i32>} : memref<8x256xf32, #tpu.memory_space<vmem>>, vector<16xf32>,
    %get3A_832 = arith.constant 5 : i32
    %get3A_833 = arith.index_cast %get3A_832 : i32 to index
    %get3A_834 = arith.constant 144 : index
    %get3A_835 = tpu.vector_load %arg13[%get3A_833, %get3A_834] {strides = array<i32>} : memref<8x256xf32, #tpu.memory_space<vmem>>, vector<16xf32>,
    %add3A_836 = arith.addf %get3A_831, %get3A_835 : vector<16xf32>
    %add3A_837 = arith.addf %add3A_827, %add3A_836 : vector<16xf32>
    %get3A_838 = arith.constant 1 : i32
    %get3A_839 = arith.index_cast %get3A_838 : i32 to index
    %get3A_840 = arith.constant 160 : index
    %get3A_841 = tpu.vector_load %arg13[%get3A_839, %get3A_840] {strides = array<i32>} : memref<8x256xf32, #tpu.memory_space<vmem>>, vector<16xf32>,
    %get3A_842 = arith.constant 5 : i32
    %get3A_843 = arith.index_cast %get3A_842 : i32 to index
    %get3A_844 = arith.constant 160 : index
    %get3A_845 = tpu.vector_load %arg13[%get3A_843, %get3A_844] {strides = array<i32>} : memref<8x256xf32, #tpu.memory_space<vmem>>, vector<16xf32>,
    %add3A_846 = arith.addf %get3A_841, %get3A_845 : vector<16xf32>
    %add3A_847 = arith.addf %add3A_837, %add3A_846 : vector<16xf32>
    %get3A_848 = arith.constant 1 : i32
    %get3A_849 = arith.index_cast %get3A_848 : i32 to index
    %get3A_850 = arith.constant 176 : index
    %get3A_851 = tpu.vector_load %arg13[%get3A_849, %get3A_850] {strides = array<i32>} : memref<8x256xf32, #tpu.memory_space<vmem>>, vector<16xf32>,
    %get3A_852 = arith.constant 5 : i32
    %get3A_853 = arith.index_cast %get3A_852 : i32 to index
    %get3A_854 = arith.constant 176 : index
    %get3A_855 = tpu.vector_load %arg13[%get3A_853, %get3A_854] {strides = array<i32>} : memref<8x256xf32, #tpu.memory_space<vmem>>, vector<16xf32>,
    %add3A_856 = arith.addf %get3A_851, %get3A_855 : vector<16xf32>
    %add3A_857 = arith.addf %add3A_847, %add3A_856 : vector<16xf32>
    %get3A_858 = arith.constant 1 : i32
    %get3A_859 = arith.index_cast %get3A_858 : i32 to index
    %get3A_860 = arith.constant 192 : index
    %get3A_861 = tpu.vector_load %arg13[%get3A_859, %get3A_860] {strides = array<i32>} : memref<8x256xf32, #tpu.memory_space<vmem>>, vector<16xf32>,
    %get3A_862 = arith.constant 5 : i32
    %get3A_863 = arith.index_cast %get3A_862 : i32 to index
    %get3A_864 = arith.constant 192 : index
    %get3A_865 = tpu.vector_load %arg13[%get3A_863, %get3A_864] {strides = array<i32>} : memref<8x256xf32, #tpu.memory_space<vmem>>, vector<16xf32>,
    %add3A_866 = arith.addf %get3A_861, %get3A_865 : vector<16xf32>
    %add3A_867 = arith.addf %add3A_857, %add3A_866 : vector<16xf32>
    %get3A_868 = arith.constant 1 : i32
    %get3A_869 = arith.index_cast %get3A_868 : i32 to index
    %get3A_870 = arith.constant 208 : index
    %get3A_871 = tpu.vector_load %arg13[%get3A_869, %get3A_870] {strides = array<i32>} : memref<8x256xf32, #tpu.memory_space<vmem>>, vector<16xf32>,
    %get3A_872 = arith.constant 5 : i32
    %get3A_873 = arith.index_cast %get3A_872 : i32 to index
    %get3A_874 = arith.constant 208 : index
    %get3A_875 = tpu.vector_load %arg13[%get3A_873, %get3A_874] {strides = array<i32>} : memref<8x256xf32, #tpu.memory_space<vmem>>, vector<16xf32>,
    %add3A_876 = arith.addf %get3A_871, %get3A_875 : vector<16xf32>
    %add3A_877 = arith.addf %add3A_867, %add3A_876 : vector<16xf32>
    %get3A_878 = arith.constant 1 : i32
    %get3A_879 = arith.index_cast %get3A_878 : i32 to index
    %get3A_880 = arith.constant 224 : index
    %get3A_881 = tpu.vector_load %arg13[%get3A_879, %get3A_880] {strides = array<i32>} : memref<8x256xf32, #tpu.memory_space<vmem>>, vector<16xf32>,
    %get3A_882 = arith.constant 5 : i32
    %get3A_883 = arith.index_cast %get3A_882 : i32 to index
    %get3A_884 = arith.constant 224 : index
    %get3A_885 = tpu.vector_load %arg13[%get3A_883, %get3A_884] {strides = array<i32>} : memref<8x256xf32, #tpu.memory_space<vmem>>, vector<16xf32>,
    %add3A_886 = arith.addf %get3A_881, %get3A_885 : vector<16xf32>
    %add3A_887 = arith.addf %add3A_877, %add3A_886 : vector<16xf32>
    %get3A_888 = arith.constant 1 : i32
    %get3A_889 = arith.index_cast %get3A_888 : i32 to index
    %get3A_890 = arith.constant 240 : index
    %get3A_891 = tpu.vector_load %arg13[%get3A_889, %get3A_890] {strides = array<i32>} : memref<8x256xf32, #tpu.memory_space<vmem>>, vector<16xf32>,
    %get3A_892 = arith.constant 5 : i32
    %get3A_893 = arith.index_cast %get3A_892 : i32 to index
    %get3A_894 = arith.constant 240 : index
    %get3A_895 = tpu.vector_load %arg13[%get3A_893, %get3A_894] {strides = array<i32>} : memref<8x256xf32, #tpu.memory_space<vmem>>, vector<16xf32>,
    %add3A_896 = arith.addf %get3A_891, %get3A_895 : vector<16xf32>
    %add3A_897 = arith.addf %add3A_887, %add3A_896 : vector<16xf32>
    %swap3A_898 = arith.constant 1 : i32
    %swap3A_899 = arith.index_cast %swap3A_898 : i32 to index
    %swap3A_900 = arith.constant 0 : index
    %swap3A_901 = tpu.vector_load %arg14[%swap3A_899, %swap3A_900] {strides = array<i32>} : memref<4x16xf32, #tpu.memory_space<vmem>>, vector<16xf32>,
    tpu.vector_store %arg14[%swap3A_899, %swap3A_900], %add3A_897 {strides = array<i32>} : memref<4x16xf32, #tpu.memory_space<vmem>>, vector<16xf32>,
    %get3A_902 = arith.constant 2 : i32
    %get3A_903 = arith.index_cast %get3A_902 : i32 to index
    %get3A_904 = arith.constant 0 : index
    %get3A_905 = tpu.vector_load %arg13[%get3A_903, %get3A_904] {strides = array<i32>} : memref<8x256xf32, #tpu.memory_space<vmem>>, vector<16xf32>,
    %get3A_906 = arith.constant 6 : i32
    %get3A_907 = arith.index_cast %get3A_906 : i32 to index
    %get3A_908 = arith.constant 0 : index
    %get3A_909 = tpu.vector_load %arg13[%get3A_907, %get3A_908] {strides = array<i32>} : memref<8x256xf32, #tpu.memory_space<vmem>>, vector<16xf32>,
    %add3A_910 = arith.addf %get3A_905, %get3A_909 : vector<16xf32>
    %get3A_911 = arith.constant 2 : i32
    %get3A_912 = arith.index_cast %get3A_911 : i32 to index
    %get3A_913 = arith.constant 16 : index
    %get3A_914 = tpu.vector_load %arg13[%get3A_912, %get3A_913] {strides = array<i32>} : memref<8x256xf32, #tpu.memory_space<vmem>>, vector<16xf32>,
    %get3A_915 = arith.constant 6 : i32
    %get3A_916 = arith.index_cast %get3A_915 : i32 to index
    %get3A_917 = arith.constant 16 : index
    %get3A_918 = tpu.vector_load %arg13[%get3A_916, %get3A_917] {strides = array<i32>} : memref<8x256xf32, #tpu.memory_space<vmem>>, vector<16xf32>,
    %add3A_919 = arith.addf %get3A_914, %get3A_918 : vector<16xf32>
    %add3A_920 = arith.addf %add3A_910, %add3A_919 : vector<16xf32>
    %get3A_921 = arith.constant 2 : i32
    %get3A_922 = arith.index_cast %get3A_921 : i32 to index
    %get3A_923 = arith.constant 32 : index
    %get3A_924 = tpu.vector_load %arg13[%get3A_922, %get3A_923] {strides = array<i32>} : memref<8x256xf32, #tpu.memory_space<vmem>>, vector<16xf32>,
    %get3A_925 = arith.constant 6 : i32
    %get3A_926 = arith.index_cast %get3A_925 : i32 to index
    %get3A_927 = arith.constant 32 : index
    %get3A_928 = tpu.vector_load %arg13[%get3A_926, %get3A_927] {strides = array<i32>} : memref<8x256xf32, #tpu.memory_space<vmem>>, vector<16xf32>,
    %add3A_929 = arith.addf %get3A_924, %get3A_928 : vector<16xf32>
    %add3A_930 = arith.addf %add3A_920, %add3A_929 : vector<16xf32>
    %get3A_931 = arith.constant 2 : i32
    %get3A_932 = arith.index_cast %get3A_931 : i32 to index
    %get3A_933 = arith.constant 48 : index
    %get3A_934 = tpu.vector_load %arg13[%get3A_932, %get3A_933] {strides = array<i32>} : memref<8x256xf32, #tpu.memory_space<vmem>>, vector<16xf32>,
    %get3A_935 = arith.constant 6 : i32
    %get3A_936 = arith.index_cast %get3A_935 : i32 to index
    %get3A_937 = arith.constant 48 : index
    %get3A_938 = tpu.vector_load %arg13[%get3A_936, %get3A_937] {strides = array<i32>} : memref<8x256xf32, #tpu.memory_space<vmem>>, vector<16xf32>,
    %add3A_939 = arith.addf %get3A_934, %get3A_938 : vector<16xf32>
    %add3A_940 = arith.addf %add3A_930, %add3A_939 : vector<16xf32>
    %get3A_941 = arith.constant 2 : i32
    %get3A_942 = arith.index_cast %get3A_941 : i32 to index
    %get3A_943 = arith.constant 64 : index
    %get3A_944 = tpu.vector_load %arg13[%get3A_942, %get3A_943] {strides = array<i32>} : memref<8x256xf32, #tpu.memory_space<vmem>>, vector<16xf32>,
    %get3A_945 = arith.constant 6 : i32
    %get3A_946 = arith.index_cast %get3A_945 : i32 to index
    %get3A_947 = arith.constant 64 : index
    %get3A_948 = tpu.vector_load %arg13[%get3A_946, %get3A_947] {strides = array<i32>} : memref<8x256xf32, #tpu.memory_space<vmem>>, vector<16xf32>,
    %add3A_949 = arith.addf %get3A_944, %get3A_948 : vector<16xf32>
    %add3A_950 = arith.addf %add3A_940, %add3A_949 : vector<16xf32>
    %get3A_951 = arith.constant 2 : i32
    %get3A_952 = arith.index_cast %get3A_951 : i32 to index
    %get3A_953 = arith.constant 80 : index
    %get3A_954 = tpu.vector_load %arg13[%get3A_952, %get3A_953] {strides = array<i32>} : memref<8x256xf32, #tpu.memory_space<vmem>>, vector<16xf32>,
    %get3A_955 = arith.constant 6 : i32
    %get3A_956 = arith.index_cast %get3A_955 : i32 to index
    %get3A_957 = arith.constant 80 : index
    %get3A_958 = tpu.vector_load %arg13[%get3A_956, %get3A_957] {strides = array<i32>} : memref<8x256xf32, #tpu.memory_space<vmem>>, vector<16xf32>,
    %add3A_959 = arith.addf %get3A_954, %get3A_958 : vector<16xf32>
    %add3A_960 = arith.addf %add3A_950, %add3A_959 : vector<16xf32>
    %get3A_961 = arith.constant 2 : i32
    %get3A_962 = arith.index_cast %get3A_961 : i32 to index
    %get3A_963 = arith.constant 96 : index
    %get3A_964 = tpu.vector_load %arg13[%get3A_962, %get3A_963] {strides = array<i32>} : memref<8x256xf32, #tpu.memory_space<vmem>>, vector<16xf32>,
    %get3A_965 = arith.constant 6 : i32
    %get3A_966 = arith.index_cast %get3A_965 : i32 to index
    %get3A_967 = arith.constant 96 : index
    %get3A_968 = tpu.vector_load %arg13[%get3A_966, %get3A_967] {strides = array<i32>} : memref<8x256xf32, #tpu.memory_space<vmem>>, vector<16xf32>,
    %add3A_969 = arith.addf %get3A_964, %get3A_968 : vector<16xf32>
    %add3A_970 = arith.addf %add3A_960, %add3A_969 : vector<16xf32>
    %get3A_971 = arith.constant 2 : i32
    %get3A_972 = arith.index_cast %get3A_971 : i32 to index
    %get3A_973 = arith.constant 112 : index
    %get3A_974 = tpu.vector_load %arg13[%get3A_972, %get3A_973] {strides = array<i32>} : memref<8x256xf32, #tpu.memory_space<vmem>>, vector<16xf32>,
    %get3A_975 = arith.constant 6 : i32
    %get3A_976 = arith.index_cast %get3A_975 : i32 to index
    %get3A_977 = arith.constant 112 : index
    %get3A_978 = tpu.vector_load %arg13[%get3A_976, %get3A_977] {strides = array<i32>} : memref<8x256xf32, #tpu.memory_space<vmem>>, vector<16xf32>,
    %add3A_979 = arith.addf %get3A_974, %get3A_978 : vector<16xf32>
    %add3A_980 = arith.addf %add3A_970, %add3A_979 : vector<16xf32>
    %get3A_981 = arith.constant 2 : i32
    %get3A_982 = arith.index_cast %get3A_981 : i32 to index
    %get3A_983 = arith.constant 128 : index
    %get3A_984 = tpu.vector_load %arg13[%get3A_982, %get3A_983] {strides = array<i32>} : memref<8x256xf32, #tpu.memory_space<vmem>>, vector<16xf32>,
    %get3A_985 = arith.constant 6 : i32
    %get3A_986 = arith.index_cast %get3A_985 : i32 to index
    %get3A_987 = arith.constant 128 : index
    %get3A_988 = tpu.vector_load %arg13[%get3A_986, %get3A_987] {strides = array<i32>} : memref<8x256xf32, #tpu.memory_space<vmem>>, vector<16xf32>,
    %add3A_989 = arith.addf %get3A_984, %get3A_988 : vector<16xf32>
    %add3A_990 = arith.addf %add3A_980, %add3A_989 : vector<16xf32>
    %get3A_991 = arith.constant 2 : i32
    %get3A_992 = arith.index_cast %get3A_991 : i32 to index
    %get3A_993 = arith.constant 144 : index
    %get3A_994 = tpu.vector_load %arg13[%get3A_992, %get3A_993] {strides = array<i32>} : memref<8x256xf32, #tpu.memory_space<vmem>>, vector<16xf32>,
    %get3A_995 = arith.constant 6 : i32
    %get3A_996 = arith.index_cast %get3A_995 : i32 to index
    %get3A_997 = arith.constant 144 : index
    %get3A_998 = tpu.vector_load %arg13[%get3A_996, %get3A_997] {strides = array<i32>} : memref<8x256xf32, #tpu.memory_space<vmem>>, vector<16xf32>,
    %add3A_999 = arith.addf %get3A_994, %get3A_998 : vector<16xf32>
    %add3A_1000 = arith.addf %add3A_990, %add3A_999 : vector<16xf32>
    %get3A_1001 = arith.constant 2 : i32
    %get3A_1002 = arith.index_cast %get3A_1001 : i32 to index
    %get3A_1003 = arith.constant 160 : index
    %get3A_1004 = tpu.vector_load %arg13[%get3A_1002, %get3A_1003] {strides = array<i32>} : memref<8x256xf32, #tpu.memory_space<vmem>>, vector<16xf32>,
    %get3A_1005 = arith.constant 6 : i32
    %get3A_1006 = arith.index_cast %get3A_1005 : i32 to index
    %get3A_1007 = arith.constant 160 : index
    %get3A_1008 = tpu.vector_load %arg13[%get3A_1006, %get3A_1007] {strides = array<i32>} : memref<8x256xf32, #tpu.memory_space<vmem>>, vector<16xf32>,
    %add3A_1009 = arith.addf %get3A_1004, %get3A_1008 : vector<16xf32>
    %add3A_1010 = arith.addf %add3A_1000, %add3A_1009 : vector<16xf32>
    %get3A_1011 = arith.constant 2 : i32
    %get3A_1012 = arith.index_cast %get3A_1011 : i32 to index
    %get3A_1013 = arith.constant 176 : index
    %get3A_1014 = tpu.vector_load %arg13[%get3A_1012, %get3A_1013] {strides = array<i32>} : memref<8x256xf32, #tpu.memory_space<vmem>>, vector<16xf32>,
    %get3A_1015 = arith.constant 6 : i32
    %get3A_1016 = arith.index_cast %get3A_1015 : i32 to index
    %get3A_1017 = arith.constant 176 : index
    %get3A_1018 = tpu.vector_load %arg13[%get3A_1016, %get3A_1017] {strides = array<i32>} : memref<8x256xf32, #tpu.memory_space<vmem>>, vector<16xf32>,
    %add3A_1019 = arith.addf %get3A_1014, %get3A_1018 : vector<16xf32>
    %add3A_1020 = arith.addf %add3A_1010, %add3A_1019 : vector<16xf32>
    %get3A_1021 = arith.constant 2 : i32
    %get3A_1022 = arith.index_cast %get3A_1021 : i32 to index
    %get3A_1023 = arith.constant 192 : index
    %get3A_1024 = tpu.vector_load %arg13[%get3A_1022, %get3A_1023] {strides = array<i32>} : memref<8x256xf32, #tpu.memory_space<vmem>>, vector<16xf32>,
    %get3A_1025 = arith.constant 6 : i32
    %get3A_1026 = arith.index_cast %get3A_1025 : i32 to index
    %get3A_1027 = arith.constant 192 : index
    %get3A_1028 = tpu.vector_load %arg13[%get3A_1026, %get3A_1027] {strides = array<i32>} : memref<8x256xf32, #tpu.memory_space<vmem>>, vector<16xf32>,
    %add3A_1029 = arith.addf %get3A_1024, %get3A_1028 : vector<16xf32>
    %add3A_1030 = arith.addf %add3A_1020, %add3A_1029 : vector<16xf32>
    %get3A_1031 = arith.constant 2 : i32
    %get3A_1032 = arith.index_cast %get3A_1031 : i32 to index
    %get3A_1033 = arith.constant 208 : index
    %get3A_1034 = tpu.vector_load %arg13[%get3A_1032, %get3A_1033] {strides = array<i32>} : memref<8x256xf32, #tpu.memory_space<vmem>>, vector<16xf32>,
    %get3A_1035 = arith.constant 6 : i32
    %get3A_1036 = arith.index_cast %get3A_1035 : i32 to index
    %get3A_1037 = arith.constant 208 : index
    %get3A_1038 = tpu.vector_load %arg13[%get3A_1036, %get3A_1037] {strides = array<i32>} : memref<8x256xf32, #tpu.memory_space<vmem>>, vector<16xf32>,
    %add3A_1039 = arith.addf %get3A_1034, %get3A_1038 : vector<16xf32>
    %add3A_1040 = arith.addf %add3A_1030, %add3A_1039 : vector<16xf32>
    %get3A_1041 = arith.constant 2 : i32
    %get3A_1042 = arith.index_cast %get3A_1041 : i32 to index
    %get3A_1043 = arith.constant 224 : index
    %get3A_1044 = tpu.vector_load %arg13[%get3A_1042, %get3A_1043] {strides = array<i32>} : memref<8x256xf32, #tpu.memory_space<vmem>>, vector<16xf32>,
    %get3A_1045 = arith.constant 6 : i32
    %get3A_1046 = arith.index_cast %get3A_1045 : i32 to index
    %get3A_1047 = arith.constant 224 : index
    %get3A_1048 = tpu.vector_load %arg13[%get3A_1046, %get3A_1047] {strides = array<i32>} : memref<8x256xf32, #tpu.memory_space<vmem>>, vector<16xf32>,
    %add3A_1049 = arith.addf %get3A_1044, %get3A_1048 : vector<16xf32>
    %add3A_1050 = arith.addf %add3A_1040, %add3A_1049 : vector<16xf32>
    %get3A_1051 = arith.constant 2 : i32
    %get3A_1052 = arith.index_cast %get3A_1051 : i32 to index
    %get3A_1053 = arith.constant 240 : index
    %get3A_1054 = tpu.vector_load %arg13[%get3A_1052, %get3A_1053] {strides = array<i32>} : memref<8x256xf32, #tpu.memory_space<vmem>>, vector<16xf32>,
    %get3A_1055 = arith.constant 6 : i32
    %get3A_1056 = arith.index_cast %get3A_1055 : i32 to index
    %get3A_1057 = arith.constant 240 : index
    %get3A_1058 = tpu.vector_load %arg13[%get3A_1056, %get3A_1057] {strides = array<i32>} : memref<8x256xf32, #tpu.memory_space<vmem>>, vector<16xf32>,
    %add3A_1059 = arith.addf %get3A_1054, %get3A_1058 : vector<16xf32>
    %add3A_1060 = arith.addf %add3A_1050, %add3A_1059 : vector<16xf32>
    %swap3A_1061 = arith.constant 2 : i32
    %swap3A_1062 = arith.index_cast %swap3A_1061 : i32 to index
    %swap3A_1063 = arith.constant 0 : index
    %swap3A_1064 = tpu.vector_load %arg14[%swap3A_1062, %swap3A_1063] {strides = array<i32>} : memref<4x16xf32, #tpu.memory_space<vmem>>, vector<16xf32>,
    tpu.vector_store %arg14[%swap3A_1062, %swap3A_1063], %add3A_1060 {strides = array<i32>} : memref<4x16xf32, #tpu.memory_space<vmem>>, vector<16xf32>,
    %get3A_1065 = arith.constant 3 : i32
    %get3A_1066 = arith.index_cast %get3A_1065 : i32 to index
    %get3A_1067 = arith.constant 0 : index
    %get3A_1068 = tpu.vector_load %arg13[%get3A_1066, %get3A_1067] {strides = array<i32>} : memref<8x256xf32, #tpu.memory_space<vmem>>, vector<16xf32>,
    %get3A_1069 = arith.constant 7 : i32
    %get3A_1070 = arith.index_cast %get3A_1069 : i32 to index
    %get3A_1071 = arith.constant 0 : index
    %get3A_1072 = tpu.vector_load %arg13[%get3A_1070, %get3A_1071] {strides = array<i32>} : memref<8x256xf32, #tpu.memory_space<vmem>>, vector<16xf32>,
    %add3A_1073 = arith.addf %get3A_1068, %get3A_1072 : vector<16xf32>
    %get3A_1074 = arith.constant 3 : i32
    %get3A_1075 = arith.index_cast %get3A_1074 : i32 to index
    %get3A_1076 = arith.constant 16 : index
    %get3A_1077 = tpu.vector_load %arg13[%get3A_1075, %get3A_1076] {strides = array<i32>} : memref<8x256xf32, #tpu.memory_space<vmem>>, vector<16xf32>,
    %get3A_1078 = arith.constant 7 : i32
    %get3A_1079 = arith.index_cast %get3A_1078 : i32 to index
    %get3A_1080 = arith.constant 16 : index
    %get3A_1081 = tpu.vector_load %arg13[%get3A_1079, %get3A_1080] {strides = array<i32>} : memref<8x256xf32, #tpu.memory_space<vmem>>, vector<16xf32>,
    %add3A_1082 = arith.addf %get3A_1077, %get3A_1081 : vector<16xf32>
    %add3A_1083 = arith.addf %add3A_1073, %add3A_1082 : vector<16xf32>
    %get3A_1084 = arith.constant 3 : i32
    %get3A_1085 = arith.index_cast %get3A_1084 : i32 to index
    %get3A_1086 = arith.constant 32 : index
    %get3A_1087 = tpu.vector_load %arg13[%get3A_1085, %get3A_1086] {strides = array<i32>} : memref<8x256xf32, #tpu.memory_space<vmem>>, vector<16xf32>,
    %get3A_1088 = arith.constant 7 : i32
    %get3A_1089 = arith.index_cast %get3A_1088 : i32 to index
    %get3A_1090 = arith.constant 32 : index
    %get3A_1091 = tpu.vector_load %arg13[%get3A_1089, %get3A_1090] {strides = array<i32>} : memref<8x256xf32, #tpu.memory_space<vmem>>, vector<16xf32>,
    %add3A_1092 = arith.addf %get3A_1087, %get3A_1091 : vector<16xf32>
    %add3A_1093 = arith.addf %add3A_1083, %add3A_1092 : vector<16xf32>
    %get3A_1094 = arith.constant 3 : i32
    %get3A_1095 = arith.index_cast %get3A_1094 : i32 to index
    %get3A_1096 = arith.constant 48 : index
    %get3A_1097 = tpu.vector_load %arg13[%get3A_1095, %get3A_1096] {strides = array<i32>} : memref<8x256xf32, #tpu.memory_space<vmem>>, vector<16xf32>,
    %get3A_1098 = arith.constant 7 : i32
    %get3A_1099 = arith.index_cast %get3A_1098 : i32 to index
    %get3A_1100 = arith.constant 48 : index
    %get3A_1101 = tpu.vector_load %arg13[%get3A_1099, %get3A_1100] {strides = array<i32>} : memref<8x256xf32, #tpu.memory_space<vmem>>, vector<16xf32>,
    %add3A_1102 = arith.addf %get3A_1097, %get3A_1101 : vector<16xf32>
    %add3A_1103 = arith.addf %add3A_1093, %add3A_1102 : vector<16xf32>
    %get3A_1104 = arith.constant 3 : i32
    %get3A_1105 = arith.index_cast %get3A_1104 : i32 to index
    %get3A_1106 = arith.constant 64 : index
    %get3A_1107 = tpu.vector_load %arg13[%get3A_1105, %get3A_1106] {strides = array<i32>} : memref<8x256xf32, #tpu.memory_space<vmem>>, vector<16xf32>,
    %get3A_1108 = arith.constant 7 : i32
    %get3A_1109 = arith.index_cast %get3A_1108 : i32 to index
    %get3A_1110 = arith.constant 64 : index
    %get3A_1111 = tpu.vector_load %arg13[%get3A_1109, %get3A_1110] {strides = array<i32>} : memref<8x256xf32, #tpu.memory_space<vmem>>, vector<16xf32>,
    %add3A_1112 = arith.addf %get3A_1107, %get3A_1111 : vector<16xf32>
    %add3A_1113 = arith.addf %add3A_1103, %add3A_1112 : vector<16xf32>
    %get3A_1114 = arith.constant 3 : i32
    %get3A_1115 = arith.index_cast %get3A_1114 : i32 to index
    %get3A_1116 = arith.constant 80 : index
    %get3A_1117 = tpu.vector_load %arg13[%get3A_1115, %get3A_1116] {strides = array<i32>} : memref<8x256xf32, #tpu.memory_space<vmem>>, vector<16xf32>,
    %get3A_1118 = arith.constant 7 : i32
    %get3A_1119 = arith.index_cast %get3A_1118 : i32 to index
    %get3A_1120 = arith.constant 80 : index
    %get3A_1121 = tpu.vector_load %arg13[%get3A_1119, %get3A_1120] {strides = array<i32>} : memref<8x256xf32, #tpu.memory_space<vmem>>, vector<16xf32>,
    %add3A_1122 = arith.addf %get3A_1117, %get3A_1121 : vector<16xf32>
    %add3A_1123 = arith.addf %add3A_1113, %add3A_1122 : vector<16xf32>
    %get3A_1124 = arith.constant 3 : i32
    %get3A_1125 = arith.index_cast %get3A_1124 : i32 to index
    %get3A_1126 = arith.constant 96 : index
    %get3A_1127 = tpu.vector_load %arg13[%get3A_1125, %get3A_1126] {strides = array<i32>} : memref<8x256xf32, #tpu.memory_space<vmem>>, vector<16xf32>,
    %get3A_1128 = arith.constant 7 : i32
    %get3A_1129 = arith.index_cast %get3A_1128 : i32 to index
    %get3A_1130 = arith.constant 96 : index
    %get3A_1131 = tpu.vector_load %arg13[%get3A_1129, %get3A_1130] {strides = array<i32>} : memref<8x256xf32, #tpu.memory_space<vmem>>, vector<16xf32>,
    %add3A_1132 = arith.addf %get3A_1127, %get3A_1131 : vector<16xf32>
    %add3A_1133 = arith.addf %add3A_1123, %add3A_1132 : vector<16xf32>
    %get3A_1134 = arith.constant 3 : i32
    %get3A_1135 = arith.index_cast %get3A_1134 : i32 to index
    %get3A_1136 = arith.constant 112 : index
    %get3A_1137 = tpu.vector_load %arg13[%get3A_1135, %get3A_1136] {strides = array<i32>} : memref<8x256xf32, #tpu.memory_space<vmem>>, vector<16xf32>,
    %get3A_1138 = arith.constant 7 : i32
    %get3A_1139 = arith.index_cast %get3A_1138 : i32 to index
    %get3A_1140 = arith.constant 112 : index
    %get3A_1141 = tpu.vector_load %arg13[%get3A_1139, %get3A_1140] {strides = array<i32>} : memref<8x256xf32, #tpu.memory_space<vmem>>, vector<16xf32>,
    %add3A_1142 = arith.addf %get3A_1137, %get3A_1141 : vector<16xf32>
    %add3A_1143 = arith.addf %add3A_1133, %add3A_1142 : vector<16xf32>
    %get3A_1144 = arith.constant 3 : i32
    %get3A_1145 = arith.index_cast %get3A_1144 : i32 to index
    %get3A_1146 = arith.constant 128 : index
    %get3A_1147 = tpu.vector_load %arg13[%get3A_1145, %get3A_1146] {strides = array<i32>} : memref<8x256xf32, #tpu.memory_space<vmem>>, vector<16xf32>,
    %get3A_1148 = arith.constant 7 : i32
    %get3A_1149 = arith.index_cast %get3A_1148 : i32 to index
    %get3A_1150 = arith.constant 128 : index
    %get3A_1151 = tpu.vector_load %arg13[%get3A_1149, %get3A_1150] {strides = array<i32>} : memref<8x256xf32, #tpu.memory_space<vmem>>, vector<16xf32>,
    %add3A_1152 = arith.addf %get3A_1147, %get3A_1151 : vector<16xf32>
    %add3A_1153 = arith.addf %add3A_1143, %add3A_1152 : vector<16xf32>
    %get3A_1154 = arith.constant 3 : i32
    %get3A_1155 = arith.index_cast %get3A_1154 : i32 to index
    %get3A_1156 = arith.constant 144 : index
    %get3A_1157 = tpu.vector_load %arg13[%get3A_1155, %get3A_1156] {strides = array<i32>} : memref<8x256xf32, #tpu.memory_space<vmem>>, vector<16xf32>,
    %get3A_1158 = arith.constant 7 : i32
    %get3A_1159 = arith.index_cast %get3A_1158 : i32 to index
    %get3A_1160 = arith.constant 144 : index
    %get3A_1161 = tpu.vector_load %arg13[%get3A_1159, %get3A_1160] {strides = array<i32>} : memref<8x256xf32, #tpu.memory_space<vmem>>, vector<16xf32>,
    %add3A_1162 = arith.addf %get3A_1157, %get3A_1161 : vector<16xf32>
    %add3A_1163 = arith.addf %add3A_1153, %add3A_1162 : vector<16xf32>
    %get3A_1164 = arith.constant 3 : i32
    %get3A_1165 = arith.index_cast %get3A_1164 : i32 to index
    %get3A_1166 = arith.constant 160 : index
    %get3A_1167 = tpu.vector_load %arg13[%get3A_1165, %get3A_1166] {strides = array<i32>} : memref<8x256xf32, #tpu.memory_space<vmem>>, vector<16xf32>,
    %get3A_1168 = arith.constant 7 : i32
    %get3A_1169 = arith.index_cast %get3A_1168 : i32 to index
    %get3A_1170 = arith.constant 160 : index
    %get3A_1171 = tpu.vector_load %arg13[%get3A_1169, %get3A_1170] {strides = array<i32>} : memref<8x256xf32, #tpu.memory_space<vmem>>, vector<16xf32>,
    %add3A_1172 = arith.addf %get3A_1167, %get3A_1171 : vector<16xf32>
    %add3A_1173 = arith.addf %add3A_1163, %add3A_1172 : vector<16xf32>
    %get3A_1174 = arith.constant 3 : i32
    %get3A_1175 = arith.index_cast %get3A_1174 : i32 to index
    %get3A_1176 = arith.constant 176 : index
    %get3A_1177 = tpu.vector_load %arg13[%get3A_1175, %get3A_1176] {strides = array<i32>} : memref<8x256xf32, #tpu.memory_space<vmem>>, vector<16xf32>,
    %get3A_1178 = arith.constant 7 : i32
    %get3A_1179 = arith.index_cast %get3A_1178 : i32 to index
    %get3A_1180 = arith.constant 176 : index
    %get3A_1181 = tpu.vector_load %arg13[%get3A_1179, %get3A_1180] {strides = array<i32>} : memref<8x256xf32, #tpu.memory_space<vmem>>, vector<16xf32>,
    %add3A_1182 = arith.addf %get3A_1177, %get3A_1181 : vector<16xf32>
    %add3A_1183 = arith.addf %add3A_1173, %add3A_1182 : vector<16xf32>
    %get3A_1184 = arith.constant 3 : i32
    %get3A_1185 = arith.index_cast %get3A_1184 : i32 to index
    %get3A_1186 = arith.constant 192 : index
    %get3A_1187 = tpu.vector_load %arg13[%get3A_1185, %get3A_1186] {strides = array<i32>} : memref<8x256xf32, #tpu.memory_space<vmem>>, vector<16xf32>,
    %get3A_1188 = arith.constant 7 : i32
    %get3A_1189 = arith.index_cast %get3A_1188 : i32 to index
    %get3A_1190 = arith.constant 192 : index
    %get3A_1191 = tpu.vector_load %arg13[%get3A_1189, %get3A_1190] {strides = array<i32>} : memref<8x256xf32, #tpu.memory_space<vmem>>, vector<16xf32>,
    %add3A_1192 = arith.addf %get3A_1187, %get3A_1191 : vector<16xf32>
    %add3A_1193 = arith.addf %add3A_1183, %add3A_1192 : vector<16xf32>
    %get3A_1194 = arith.constant 3 : i32
    %get3A_1195 = arith.index_cast %get3A_1194 : i32 to index
    %get3A_1196 = arith.constant 208 : index
    %get3A_1197 = tpu.vector_load %arg13[%get3A_1195, %get3A_1196] {strides = array<i32>} : memref<8x256xf32, #tpu.memory_space<vmem>>, vector<16xf32>,
    %get3A_1198 = arith.constant 7 : i32
    %get3A_1199 = arith.index_cast %get3A_1198 : i32 to index
    %get3A_1200 = arith.constant 208 : index
    %get3A_1201 = tpu.vector_load %arg13[%get3A_1199, %get3A_1200] {strides = array<i32>} : memref<8x256xf32, #tpu.memory_space<vmem>>, vector<16xf32>,
    %add3A_1202 = arith.addf %get3A_1197, %get3A_1201 : vector<16xf32>
    %add3A_1203 = arith.addf %add3A_1193, %add3A_1202 : vector<16xf32>
    %get3A_1204 = arith.constant 3 : i32
    %get3A_1205 = arith.index_cast %get3A_1204 : i32 to index
    %get3A_1206 = arith.constant 224 : index
    %get3A_1207 = tpu.vector_load %arg13[%get3A_1205, %get3A_1206] {strides = array<i32>} : memref<8x256xf32, #tpu.memory_space<vmem>>, vector<16xf32>,
    %get3A_1208 = arith.constant 7 : i32
    %get3A_1209 = arith.index_cast %get3A_1208 : i32 to index
    %get3A_1210 = arith.constant 224 : index
    %get3A_1211 = tpu.vector_load %arg13[%get3A_1209, %get3A_1210] {strides = array<i32>} : memref<8x256xf32, #tpu.memory_space<vmem>>, vector<16xf32>,
    %add3A_1212 = arith.addf %get3A_1207, %get3A_1211 : vector<16xf32>
    %add3A_1213 = arith.addf %add3A_1203, %add3A_1212 : vector<16xf32>
    %get3A_1214 = arith.constant 3 : i32
    %get3A_1215 = arith.index_cast %get3A_1214 : i32 to index
    %get3A_1216 = arith.constant 240 : index
    %get3A_1217 = tpu.vector_load %arg13[%get3A_1215, %get3A_1216] {strides = array<i32>} : memref<8x256xf32, #tpu.memory_space<vmem>>, vector<16xf32>,
    %get3A_1218 = arith.constant 7 : i32
    %get3A_1219 = arith.index_cast %get3A_1218 : i32 to index
    %get3A_1220 = arith.constant 240 : index
    %get3A_1221 = tpu.vector_load %arg13[%get3A_1219, %get3A_1220] {strides = array<i32>} : memref<8x256xf32, #tpu.memory_space<vmem>>, vector<16xf32>,
    %add3A_1222 = arith.addf %get3A_1217, %get3A_1221 : vector<16xf32>
    %add3A_1223 = arith.addf %add3A_1213, %add3A_1222 : vector<16xf32>
    %swap3A_1224 = arith.constant 3 : i32
    %swap3A_1225 = arith.index_cast %swap3A_1224 : i32 to index
    %swap3A_1226 = arith.constant 0 : index
    %swap3A_1227 = tpu.vector_load %arg14[%swap3A_1225, %swap3A_1226] {strides = array<i32>} : memref<4x16xf32, #tpu.memory_space<vmem>>, vector<16xf32>,
    tpu.vector_store %arg14[%swap3A_1225, %swap3A_1226], %add3A_1223 {strides = array<i32>} : memref<4x16xf32, #tpu.memory_space<vmem>>, vector<16xf32>,
    "tpu.region"() ({
      %run_scoped3A = tpu.sem_alloc : memref<!tpu.dma_semaphore, #tpu.memory_space<semaphore_mem>>
      %dma_start3A_1228 = arith.constant 0 : i32
      %dma_start3A_1229 = arith.constant 0 : i32
      %dma_start3A_1230 = tpu.memref_slice %arg6[%add3A, %dma_start3A_1228, %dma_start3A_1229] : memref<16x4x16xf32, #tpu.memory_space<hbm>> -> memref<1x4x16xf32, #tpu.memory_space<hbm>>
      %dma_start3A_1231 = tpu.memref_squeeze %dma_start3A_1230 : memref<1x4x16xf32, #tpu.memory_space<hbm>> -> memref<4x16xf32, #tpu.memory_space<hbm>>
      %dma_start3A_1232 = arith.constant 0 : i32
      %dma_start3A_1233 = arith.constant 0 : i32
      %dma_start3A_1234 = tpu.memref_slice %arg6[%add3A, %dma_start3A_1232, %dma_start3A_1233] : memref<16x4x16xf32, #tpu.memory_space<hbm>> -> memref<1x4x16xf32, #tpu.memory_space<hbm>>
      %dma_start3A_1235 = tpu.memref_squeeze %dma_start3A_1234 : memref<1x4x16xf32, #tpu.memory_space<hbm>> -> memref<4x16xf32, #tpu.memory_space<hbm>>
      tpu.enqueue_dma source(%arg14 : memref<4x16xf32, #tpu.memory_space<vmem>>) target(%dma_start3A_1235 : memref<4x16xf32, #tpu.memory_space<hbm>>) target_semaphore(%run_scoped3A : memref<!tpu.dma_semaphore, #tpu.memory_space<semaphore_mem>>)
      %dma_wait3A_1236 = arith.constant 0 : i32
      %dma_wait3A_1237 = arith.constant 0 : i32
      %dma_wait3A_1238 = tpu.memref_slice %arg6[%add3A, %dma_wait3A_1236, %dma_wait3A_1237] : memref<16x4x16xf32, #tpu.memory_space<hbm>> -> memref<1x4x16xf32, #tpu.memory_space<hbm>>
      %dma_wait3A_1239 = tpu.memref_squeeze %dma_wait3A_1238 : memref<1x4x16xf32, #tpu.memory_space<hbm>> -> memref<4x16xf32, #tpu.memory_space<hbm>>
      %dma_wait3A_1240 = arith.constant 0 : i32
      %dma_wait3A_1241 = arith.constant 0 : i32
      %dma_wait3A_1242 = tpu.memref_slice %arg6[%add3A, %dma_wait3A_1240, %dma_wait3A_1241] : memref<16x4x16xf32, #tpu.memory_space<hbm>> -> memref<1x4x16xf32, #tpu.memory_space<hbm>>
      %dma_wait3A_1243 = tpu.memref_squeeze %dma_wait3A_1242 : memref<1x4x16xf32, #tpu.memory_space<hbm>> -> memref<4x16xf32, #tpu.memory_space<hbm>>
      tpu.wait_dma2 semaphore(%run_scoped3A : memref<!tpu.dma_semaphore, #tpu.memory_space<semaphore_mem>>) src(%arg14 : memref<4x16xf32, #tpu.memory_space<vmem>>) dst(%dma_wait3A_1243 : memref<4x16xf32, #tpu.memory_space<hbm>>)
      tpu.yield
    }) : () -> ()
    return
  }
}

module attributes {stable_mosaic.version = 14 : i64} {
  func.func @_tc_block(%arg0: i32, %arg1: memref<1024x512xf32, #tpu.memory_space<vmem>>, %arg2: memref<1024x512xf32, #tpu.memory_space<vmem>>, %arg3: memref<3x2048xf32, #tpu.memory_space<vmem>>, %arg4: memref<1x2048xi32, #tpu.memory_space<vmem>>, %arg5: memref<1x2048xi32, #tpu.memory_space<vmem>>, %arg6: memref<512x512xf32, #tpu.memory_space<vmem>>, %arg7: memref<1x512xf32, #tpu.memory_space<vmem>>, %arg8: memref<512x512xf32, #tpu.memory_space<vmem>>, %arg9: memref<1x512xf32, #tpu.memory_space<vmem>>, %arg10: memref<1x512xf32, #tpu.memory_space<vmem>>, %arg11: memref<1x100xf32, #tpu.memory_space<vmem>>, %arg12: memref<16x6xf32, #tpu.memory_space<vmem>>) attributes {dimension_semantics = [#tpu.dimension_semantics<arbitrary>], iteration_bounds = array<i64: 16>, scalar_prefetch = 0 : i64, scratch_operands = 0 : i64, tpu.core_type = #tpu.core_type<tc>, window_params = [{transform_indices = @transform_0, window_bounds = array<i64: 1024, 512>}, {transform_indices = @transform_1, window_bounds = array<i64: 1024, 512>}, {transform_indices = @transform_2, window_bounds = array<i64: 3, 2048>}, {transform_indices = @transform_3, window_bounds = array<i64: 1, 2048>}, {transform_indices = @transform_4, window_bounds = array<i64: 1, 2048>}, {pipeline_mode = #tpu.pipeline_mode<synchronous>, transform_indices = @transform_5, window_bounds = array<i64: 512, 512>}, {pipeline_mode = #tpu.pipeline_mode<synchronous>, transform_indices = @transform_6, window_bounds = array<i64: 1, 512>}, {pipeline_mode = #tpu.pipeline_mode<synchronous>, transform_indices = @transform_7, window_bounds = array<i64: 512, 512>}, {pipeline_mode = #tpu.pipeline_mode<synchronous>, transform_indices = @transform_8, window_bounds = array<i64: 1, 512>}, {pipeline_mode = #tpu.pipeline_mode<synchronous>, transform_indices = @transform_9, window_bounds = array<i64: 1, 512>}, {pipeline_mode = #tpu.pipeline_mode<synchronous>, transform_indices = @transform_10, window_bounds = array<i64: 1, 100>}, {pipeline_mode = #tpu.pipeline_mode<synchronous>, transform_indices = @transform_11, window_bounds = array<i64: 16, 6>}]} {
    %get3A = arith.constant 0 : index
    %get3A_0 = arith.constant 0 : index
    %get3A_1 = vector.load %arg1[%get3A, %get3A_0] : memref<1024x512xf32, #tpu.memory_space<vmem>>, vector<1024x512xf32>
    %get3A_2 = arith.constant 0 : index
    %get3A_3 = arith.constant 0 : index
    %get3A_4 = vector.load %arg6[%get3A_2, %get3A_3] : memref<512x512xf32, #tpu.memory_space<vmem>>, vector<512x512xf32>
    %dot_general3A = arith.constant dense<0.000000e+00> : vector<1024x512xf32>
    %dot_general3A_5 = tpu.matmul %get3A_1, %get3A_4, %dot_general3A {dimension_numbers = #tpu.dot_dimension_numbers<[1], [0], [0], [1], [0, 0, 1, 1], [], []>, transpose_lhs_hint = false} : vector<1024x512xf32>, vector<512x512xf32>, vector<1024x512xf32> -> vector<1024x512xf32>
    %get3A_6 = arith.constant 0 : index
    %get3A_7 = arith.constant 0 : index
    %get3A_8 = vector.load %arg7[%get3A_6, %get3A_7] : memref<1x512xf32, #tpu.memory_space<vmem>>, vector<1x512xf32>
    %add3A = vector.broadcast %get3A_8 : vector<1x512xf32> to vector<1024x512xf32>
    %add3A_9 = arith.addf %dot_general3A_5, %add3A : vector<1024x512xf32>
    %mul3A = arith.constant 5.000000e-01 : f32
    %mul3A_10 = vector.broadcast %mul3A : f32 to vector<1024x512xf32>
    %mul3A_11 = arith.mulf %mul3A_10, %add3A_9 : vector<1024x512xf32>
    %tanh3A = math.tanh %mul3A_11 : vector<1024x512xf32>
    %mul3A_12 = arith.mulf %mul3A_11, %tanh3A : vector<1024x512xf32>
    %add3A_13 = arith.addf %mul3A_12, %mul3A_11 : vector<1024x512xf32>
    %get3A_14 = arith.constant 0 : index
    %get3A_15 = arith.constant 0 : index
    %get3A_16 = vector.load %arg8[%get3A_14, %get3A_15] : memref<512x512xf32, #tpu.memory_space<vmem>>, vector<512x512xf32>
    %dot_general3A_17 = arith.constant dense<0.000000e+00> : vector<1024x512xf32>
    %dot_general3A_18 = tpu.matmul %add3A_13, %get3A_16, %dot_general3A_17 {dimension_numbers = #tpu.dot_dimension_numbers<[1], [0], [0], [1], [0, 0, 1, 1], [], []>, transpose_lhs_hint = false} : vector<1024x512xf32>, vector<512x512xf32>, vector<1024x512xf32> -> vector<1024x512xf32>
    %get3A_19 = arith.constant 0 : index
    %get3A_20 = arith.constant 0 : index
    %get3A_21 = vector.load %arg9[%get3A_19, %get3A_20] : memref<1x512xf32, #tpu.memory_space<vmem>>, vector<1x512xf32>
    %add3A_22 = vector.broadcast %get3A_21 : vector<1x512xf32> to vector<1024x512xf32>
    %add3A_23 = arith.addf %dot_general3A_18, %add3A_22 : vector<1024x512xf32>
    %mul3A_24 = arith.constant 5.000000e-01 : f32
    %mul3A_25 = vector.broadcast %mul3A_24 : f32 to vector<1024x512xf32>
    %mul3A_26 = arith.mulf %mul3A_25, %add3A_23 : vector<1024x512xf32>
    %tanh3A_27 = math.tanh %mul3A_26 : vector<1024x512xf32>
    %mul3A_28 = arith.mulf %mul3A_26, %tanh3A_27 : vector<1024x512xf32>
    %add3A_29 = arith.addf %mul3A_28, %mul3A_26 : vector<1024x512xf32>
    %get3A_30 = arith.constant 0 : index
    %get3A_31 = arith.constant 0 : index
    %get3A_32 = vector.load %arg10[%get3A_30, %get3A_31] : memref<1x512xf32, #tpu.memory_space<vmem>>, vector<1x512xf32>
    %add3A_33 = arith.addf %get3A_1, %add3A_29 : vector<1024x512xf32>
    %dot_general3A_34 = arith.constant dense<0.000000e+00> : vector<1x1024xf32>
    %dot_general3A_35 = tpu.matmul %get3A_32, %add3A_33, %dot_general3A_34 {dimension_numbers = #tpu.dot_dimension_numbers<[1], [1], [0], [0], [0, 0, 1, 0], [], []>, transpose_lhs_hint = false} : vector<1x512xf32>, vector<1024x512xf32>, vector<1x1024xf32> -> vector<1x1024xf32>
    %get3A_36 = arith.constant 0 : index
    %get3A_37 = arith.constant 0 : index
    %get3A_38 = vector.load %arg2[%get3A_36, %get3A_37] : memref<1024x512xf32, #tpu.memory_space<vmem>>, vector<1024x512xf32>
    %get3A_39 = arith.constant 0 : index
    %get3A_40 = arith.constant 0 : index
    %get3A_41 = vector.load %arg6[%get3A_39, %get3A_40] : memref<512x512xf32, #tpu.memory_space<vmem>>, vector<512x512xf32>
    %dot_general3A_42 = arith.constant dense<0.000000e+00> : vector<1024x512xf32>
    %dot_general3A_43 = tpu.matmul %get3A_38, %get3A_41, %dot_general3A_42 {dimension_numbers = #tpu.dot_dimension_numbers<[1], [0], [0], [1], [0, 0, 1, 1], [], []>, transpose_lhs_hint = false} : vector<1024x512xf32>, vector<512x512xf32>, vector<1024x512xf32> -> vector<1024x512xf32>
    %get3A_44 = arith.constant 0 : index
    %get3A_45 = arith.constant 0 : index
    %get3A_46 = vector.load %arg7[%get3A_44, %get3A_45] : memref<1x512xf32, #tpu.memory_space<vmem>>, vector<1x512xf32>
    %add3A_47 = vector.broadcast %get3A_46 : vector<1x512xf32> to vector<1024x512xf32>
    %add3A_48 = arith.addf %dot_general3A_43, %add3A_47 : vector<1024x512xf32>
    %mul3A_49 = arith.constant 5.000000e-01 : f32
    %mul3A_50 = vector.broadcast %mul3A_49 : f32 to vector<1024x512xf32>
    %mul3A_51 = arith.mulf %mul3A_50, %add3A_48 : vector<1024x512xf32>
    %tanh3A_52 = math.tanh %mul3A_51 : vector<1024x512xf32>
    %mul3A_53 = arith.mulf %mul3A_51, %tanh3A_52 : vector<1024x512xf32>
    %add3A_54 = arith.addf %mul3A_53, %mul3A_51 : vector<1024x512xf32>
    %get3A_55 = arith.constant 0 : index
    %get3A_56 = arith.constant 0 : index
    %get3A_57 = vector.load %arg8[%get3A_55, %get3A_56] : memref<512x512xf32, #tpu.memory_space<vmem>>, vector<512x512xf32>
    %dot_general3A_58 = arith.constant dense<0.000000e+00> : vector<1024x512xf32>
    %dot_general3A_59 = tpu.matmul %add3A_54, %get3A_57, %dot_general3A_58 {dimension_numbers = #tpu.dot_dimension_numbers<[1], [0], [0], [1], [0, 0, 1, 1], [], []>, transpose_lhs_hint = false} : vector<1024x512xf32>, vector<512x512xf32>, vector<1024x512xf32> -> vector<1024x512xf32>
    %get3A_60 = arith.constant 0 : index
    %get3A_61 = arith.constant 0 : index
    %get3A_62 = vector.load %arg9[%get3A_60, %get3A_61] : memref<1x512xf32, #tpu.memory_space<vmem>>, vector<1x512xf32>
    %add3A_63 = vector.broadcast %get3A_62 : vector<1x512xf32> to vector<1024x512xf32>
    %add3A_64 = arith.addf %dot_general3A_59, %add3A_63 : vector<1024x512xf32>
    %mul3A_65 = arith.constant 5.000000e-01 : f32
    %mul3A_66 = vector.broadcast %mul3A_65 : f32 to vector<1024x512xf32>
    %mul3A_67 = arith.mulf %mul3A_66, %add3A_64 : vector<1024x512xf32>
    %tanh3A_68 = math.tanh %mul3A_67 : vector<1024x512xf32>
    %mul3A_69 = arith.mulf %mul3A_67, %tanh3A_68 : vector<1024x512xf32>
    %add3A_70 = arith.addf %mul3A_69, %mul3A_67 : vector<1024x512xf32>
    %get3A_71 = arith.constant 0 : index
    %get3A_72 = arith.constant 0 : index
    %get3A_73 = vector.load %arg10[%get3A_71, %get3A_72] : memref<1x512xf32, #tpu.memory_space<vmem>>, vector<1x512xf32>
    %add3A_74 = arith.addf %get3A_38, %add3A_70 : vector<1024x512xf32>
    %dot_general3A_75 = arith.constant dense<0.000000e+00> : vector<1x1024xf32>
    %dot_general3A_76 = tpu.matmul %get3A_73, %add3A_74, %dot_general3A_75 {dimension_numbers = #tpu.dot_dimension_numbers<[1], [1], [0], [0], [0, 0, 1, 0], [], []>, transpose_lhs_hint = false} : vector<1x512xf32>, vector<1024x512xf32>, vector<1x1024xf32> -> vector<1x1024xf32>
    %concatenate3A = tpu.concatenate %dot_general3A_35, %dot_general3A_76 in 1 : vector<1x1024xf32>, vector<1x1024xf32> -> vector<1x2048xf32>
    %get3A_77 = arith.constant 0 : index
    %get3A_78 = arith.constant 0 : index
    %get3A_79 = vector.load %arg3[%get3A_77, %get3A_78] : memref<3x2048xf32, #tpu.memory_space<vmem>>, vector<3x2048xf32>
    %get3A_80 = arith.constant 0 : index
    %get3A_81 = arith.constant 0 : index
    %get3A_82 = vector.load %arg4[%get3A_80, %get3A_81] : memref<1x2048xi32, #tpu.memory_space<vmem>>, vector<1x2048xi32>
    %get3A_83 = arith.constant 0 : index
    %get3A_84 = arith.constant 0 : index
    %get3A_85 = vector.load %arg5[%get3A_83, %get3A_84] : memref<1x2048xi32, #tpu.memory_space<vmem>>, vector<1x2048xi32>
    %iota3A = tpu.iota {dimensions = array<i32: 0>} : vector<100x2048xi32>
    %eq3A = vector.broadcast %get3A_82 : vector<1x2048xi32> to vector<100x2048xi32>
    %eq3A_86 = arith.cmpi eq, %eq3A, %iota3A : vector<100x2048xi32>
    %convert_element_type3A = arith.extui %eq3A_86 : vector<100x2048xi1> to vector<100x2048xi32>
    %convert_element_type3A_87 = arith.sitofp %convert_element_type3A : vector<100x2048xi32> to vector<100x2048xf32>
    %get3A_88 = arith.constant 0 : index
    %get3A_89 = arith.constant 0 : index
    %get3A_90 = vector.load %arg11[%get3A_88, %get3A_89] : memref<1x100xf32, #tpu.memory_space<vmem>>, vector<1x100xf32>
    %dot_general3A_91 = arith.constant dense<0.000000e+00> : vector<1x2048xf32>
    %dot_general3A_92 = tpu.matmul %get3A_90, %convert_element_type3A_87, %dot_general3A_91 {dimension_numbers = #tpu.dot_dimension_numbers<[1], [0], [0], [1], [0, 0, 1, 1], [], []>, transpose_lhs_hint = false} : vector<1x100xf32>, vector<100x2048xf32>, vector<1x2048xf32> -> vector<1x2048xf32>
    %add3A_93 = arith.addf %concatenate3A, %dot_general3A_92 : vector<1x2048xf32>
    %max3A = arith.constant 0.000000e+00 : f32
    %max3A_94 = vector.broadcast %max3A : f32 to vector<1x2048xf32>
    %max3A_95 = arith.maximumf %add3A_93, %max3A_94 : vector<1x2048xf32>
    %abs3A = math.absf %add3A_93 : vector<1x2048xf32>
    %neg3A = arith.constant 0.000000e+00 : f32
    %neg3A_96 = vector.broadcast %neg3A : f32 to vector<1x2048xf32>
    %neg3A_97 = arith.subf %neg3A_96, %abs3A : vector<1x2048xf32>
    %exp3A = math.exp %neg3A_97 : vector<1x2048xf32>
    %add3A_98 = arith.constant 1.000000e+00 : f32
    %add3A_99 = vector.broadcast %add3A_98 : f32 to vector<1x2048xf32>
    %add3A_100 = arith.addf %add3A_99, %exp3A : vector<1x2048xf32>
    %log3A = math.log %add3A_100 : vector<1x2048xf32>
    %add3A_101 = arith.addf %max3A_95, %log3A : vector<1x2048xf32>
    %slice3A = vector.extract_strided_slice %get3A_79 {offsets = [0, 0], sizes = [1, 2048], strides = [1, 1]} : vector<3x2048xf32> to vector<1x2048xf32>
    %slice3A_102 = vector.extract_strided_slice %get3A_79 {offsets = [1, 0], sizes = [1, 2048], strides = [1, 1]} : vector<3x2048xf32> to vector<1x2048xf32>
    %slice3A_103 = vector.extract_strided_slice %get3A_79 {offsets = [2, 0], sizes = [1, 2048], strides = [1, 1]} : vector<3x2048xf32> to vector<1x2048xf32>
    %mul3A_104 = arith.mulf %slice3A, %slice3A : vector<1x2048xf32>
    %mul3A_105 = arith.mulf %slice3A_102, %slice3A_102 : vector<1x2048xf32>
    %add3A_106 = arith.addf %mul3A_104, %mul3A_105 : vector<1x2048xf32>
    %mul3A_107 = arith.mulf %slice3A_103, %slice3A_103 : vector<1x2048xf32>
    %add3A_108 = arith.addf %add3A_106, %mul3A_107 : vector<1x2048xf32>
    %broadcast_in_dim3A = arith.constant 1.000000e+00 : f32
    %broadcast_in_dim3A_109 = vector.broadcast %broadcast_in_dim3A : f32 to vector<1x2048xf32>
    %concatenate3A_110 = tpu.concatenate %get3A_79, %add3A_108, %broadcast_in_dim3A_109 in 0 : vector<3x2048xf32>, vector<1x2048xf32>, vector<1x2048xf32> -> vector<5x2048xf32>
    %iota3A_111 = tpu.iota {dimensions = array<i32: 0>} : vector<16x2048xi32>
    %eq3A_112 = vector.broadcast %get3A_85 : vector<1x2048xi32> to vector<16x2048xi32>
    %eq3A_113 = arith.cmpi eq, %eq3A_112, %iota3A_111 : vector<16x2048xi32>
    %convert_element_type3A_114 = arith.extui %eq3A_113 : vector<16x2048xi1> to vector<16x2048xi32>
    %convert_element_type3A_115 = arith.sitofp %convert_element_type3A_114 : vector<16x2048xi32> to vector<16x2048xf32>
    %mul3A_116 = vector.broadcast %add3A_101 : vector<1x2048xf32> to vector<5x2048xf32>
    %mul3A_117 = arith.mulf %mul3A_116, %concatenate3A_110 : vector<5x2048xf32>
    %broadcast_in_dim3A_118 = arith.constant 1.000000e+00 : f32
    %broadcast_in_dim3A_119 = vector.broadcast %broadcast_in_dim3A_118 : f32 to vector<1x2048xf32>
    %concatenate3A_120 = tpu.concatenate %mul3A_117, %broadcast_in_dim3A_119 in 0 : vector<5x2048xf32>, vector<1x2048xf32> -> vector<6x2048xf32>
    %dot_general3A_121 = arith.constant dense<0.000000e+00> : vector<16x6xf32>
    %dot_general3A_122 = tpu.matmul %convert_element_type3A_115, %concatenate3A_120, %dot_general3A_121 {dimension_numbers = #tpu.dot_dimension_numbers<[1], [1], [0], [0], [0, 0, 1, 0], [], []>, transpose_lhs_hint = false} : vector<16x2048xf32>, vector<6x2048xf32>, vector<16x6xf32> -> vector<16x6xf32>
    %eq3A_123 = arith.constant 0 : i32
    %eq3A_124 = arith.cmpi eq, %arg0, %eq3A_123 : i32
    %convert_element_type3A_125 = arith.extui %eq3A_124 : i1 to i32
    %cond3A = arith.constant 0 : i32
    %cond3A_126 = arith.cmpi ne, %convert_element_type3A_125, %cond3A : i32
    scf.if %cond3A_126 {
      %broadcast_in_dim3A_133 = arith.constant 0.000000e+00 : f32
      %broadcast_in_dim3A_134 = vector.broadcast %broadcast_in_dim3A_133 : f32 to vector<16x6xf32>
      %swap3A_135 = arith.constant 0 : index
      %swap3A_136 = arith.constant 0 : index
      %swap3A_137 = vector.load %arg12[%swap3A_135, %swap3A_136] : memref<16x6xf32, #tpu.memory_space<vmem>>, vector<16x6xf32>
      tpu.vector_store %arg12[%swap3A_135, %swap3A_136], %broadcast_in_dim3A_134 {strides = array<i32>} : memref<16x6xf32, #tpu.memory_space<vmem>>, vector<16x6xf32>,
    } else {
    }
    %get3A_127 = arith.constant 0 : index
    %get3A_128 = arith.constant 0 : index
    %get3A_129 = vector.load %arg12[%get3A_127, %get3A_128] : memref<16x6xf32, #tpu.memory_space<vmem>>, vector<16x6xf32>
    %add3A_130 = arith.addf %get3A_129, %dot_general3A_122 : vector<16x6xf32>
    %swap3A = arith.constant 0 : index
    %swap3A_131 = arith.constant 0 : index
    %swap3A_132 = vector.load %arg12[%swap3A, %swap3A_131] : memref<16x6xf32, #tpu.memory_space<vmem>>, vector<16x6xf32>
    tpu.vector_store %arg12[%swap3A, %swap3A_131], %add3A_130 {strides = array<i32>} : memref<16x6xf32, #tpu.memory_space<vmem>>, vector<16x6xf32>,
    return
  }
  func.func @transform_0(%arg0: i32) -> (i32, i32) {
    %mul3A = arith.constant 2 : i32
    %mul3A_0 = arith.muli %mul3A, %arg0 : i32
    %c0_i32 = arith.constant 0 : i32
    %c0_i32_1 = arith.constant 0 : i32
    return %mul3A_0, %c0_i32 : i32, i32
  }
  func.func @transform_1(%arg0: i32) -> (i32, i32) {
    %mul3A = arith.constant 2 : i32
    %mul3A_0 = arith.muli %mul3A, %arg0 : i32
    %add3A = arith.constant 1 : i32
    %add3A_1 = arith.addi %mul3A_0, %add3A : i32
    %c0_i32 = arith.constant 0 : i32
    %c0_i32_2 = arith.constant 0 : i32
    return %add3A_1, %c0_i32 : i32, i32
  }
  func.func @transform_2(%arg0: i32) -> (i32, i32) {
    %c0_i32 = arith.constant 0 : i32
    %c0_i32_0 = arith.constant 0 : i32
    return %c0_i32, %arg0 : i32, i32
  }
  func.func @transform_3(%arg0: i32) -> (i32, i32) {
    %c0_i32 = arith.constant 0 : i32
    %c0_i32_0 = arith.constant 0 : i32
    return %c0_i32, %arg0 : i32, i32
  }
  func.func @transform_4(%arg0: i32) -> (i32, i32) {
    %c0_i32 = arith.constant 0 : i32
    %c0_i32_0 = arith.constant 0 : i32
    return %c0_i32, %arg0 : i32, i32
  }
  func.func @transform_5(%arg0: i32) -> (i32, i32) {
    %c0_i32 = arith.constant 0 : i32
    %c0_i32_0 = arith.constant 0 : i32
    %c0_i32_1 = arith.constant 0 : i32
    return %c0_i32, %c0_i32_0 : i32, i32
  }
  func.func @transform_6(%arg0: i32) -> (i32, i32) {
    %c0_i32 = arith.constant 0 : i32
    %c0_i32_0 = arith.constant 0 : i32
    %c0_i32_1 = arith.constant 0 : i32
    return %c0_i32, %c0_i32_0 : i32, i32
  }
  func.func @transform_7(%arg0: i32) -> (i32, i32) {
    %c0_i32 = arith.constant 0 : i32
    %c0_i32_0 = arith.constant 0 : i32
    %c0_i32_1 = arith.constant 0 : i32
    return %c0_i32, %c0_i32_0 : i32, i32
  }
  func.func @transform_8(%arg0: i32) -> (i32, i32) {
    %c0_i32 = arith.constant 0 : i32
    %c0_i32_0 = arith.constant 0 : i32
    %c0_i32_1 = arith.constant 0 : i32
    return %c0_i32, %c0_i32_0 : i32, i32
  }
  func.func @transform_9(%arg0: i32) -> (i32, i32) {
    %c0_i32 = arith.constant 0 : i32
    %c0_i32_0 = arith.constant 0 : i32
    %c0_i32_1 = arith.constant 0 : i32
    return %c0_i32, %c0_i32_0 : i32, i32
  }
  func.func @transform_10(%arg0: i32) -> (i32, i32) {
    %c0_i32 = arith.constant 0 : i32
    %c0_i32_0 = arith.constant 0 : i32
    %c0_i32_1 = arith.constant 0 : i32
    return %c0_i32, %c0_i32_0 : i32, i32
  }
  func.func @transform_11(%arg0: i32) -> (i32, i32) {
    %c0_i32 = arith.constant 0 : i32
    %c0_i32_0 = arith.constant 0 : i32
    %c0_i32_1 = arith.constant 0 : i32
    return %c0_i32, %c0_i32_0 : i32, i32
  }
}

</mosaic_0001>

<sc_bundles>
// kernel: kernel.4.cloned.1.call-start
scs
__scs_entry_jumppad:
0x0: {  	(pc) =	sbr.rel $0x88, $3  }
0x1: {  	(tag) =	ssettag $0x0;
	lr =	simm.s32 $0x1  }
0x2: {  	[smem:$0x3F97] =	sst lr;
	_ =	strace $0xD0000000  }
0x3: {  	_ = 	snop  }
0x4: {  	_ = 	snop  }
0x5: {  	_ = 	snop  }
0x6: {  	_ = 	snop  }
0x7: {  	_ = 	snop  }
__scs_overlays_trampoline_lowered:
0x8: {  	[smem:$0x3FA6] =	sst s0  }
0x9: {  	[smem:$0x3FA7] =	sst s1  }
0xa: {  	[smem:$0x3FA8] =	sst s2  }
0xb: {  	[smem:$0x3FA9] =	sst s3  }
0xc: {  	[smem:$0x3FAA] =	sst s4  }
0xd: {  	[smem:$0x3FAB] =	sst s5  }
0xe: {  	[smem:$0x3FAC] =	sst s6  }
0xf: {  	[smem:$0x3FAD] =	sst s7  }
0x10: {  	[smem:$0x3FAE] =	sst s8  }
0x11: {  	[smem:$0x3FAF] =	sst s9;
	s0 =	simm.s32 @!p0 $0x0  }
0x12: {  	s1 =	sld [smem:$0x3F95];
	s0 =	simm.s32 @p0 $0x1  }
0x13: {  	[smem:$0x3FB0] =	sst s0;
	s0 =	simm.s32 @!p1 $0x0  }
0x14: {  	s2 =	sld [smem:$0x3F94];
	s0 =	simm.s32 @p1 $0x1  }
0x15: {  	[smem:$0x3FB1] =	sst s0;
	s0 =	simm.s32 @!p2 $0x0  }
0x16: {  	s3 =	sld [smem:$0x3FDB];
	s0 =	simm.s32 @p2 $0x1  }
0x17: {  	s4 =	simm.s32 $0x1BF5;
	[smem:$0x3FB3] =	sst s0  }
0x18: {  	s0 =	sld [smem:$0x3F96];
	_ =	swait.ge [sflag:s4], $0x0  }
0x19: {  	s7 =	sld [smem:$0x3F97]  }
0x1a: {  	s8 =	sadd.s32 $0xFFFFE003, lr  }
0x1b: {  	s9 =	sadd.s32 $0xFFFFFEF7, lr;
	s5 =	simm.s32 $0xFFFFFFFF;
	p2 =	slt.u32 s8, $0xFFFFF086  }
0x1c: {  	p1 =	slt.u32 s9, $0xF7A;
	s5 =	simm.s32 @!p2 $0x0  }
0x1d: {  	s5 =	simm.s32 @p1 $0x1;
	p0 =	seq.s32 s7, s2  }
0x1e: {  	s7 =	smul.u32 @!p0 $0xF7A, s2;
	p2 =	seq.s32 @!p0 s5, $0x0  }
0x1f: {  	s9 =	smul.u32 $0xF7A, s1;
	s8 =	simm.s32 @!p0 $0x1BF5;
	p2 =	por !p2, p0  }
0x20: {  	[sflag:s8] =	ssyncset.s32 @!p0 $0xFFFFF086;
	s6 =	sadd.s32 @!p0 s3, s7;
	s7 =	simm.s32 @!p0 $0x108  }
0x21: {  	s3 =	sadd.s32 s3, s9;
	s6 =	sadd.s32 @!p0 $0x88, s6;
	s7 =	simm.s32 @p2 $0x1082  }
0x22: {  	[simem:s7], [sflag:s8] =	dma.local @!p0 [hbm:s6], $0xF7A  }
0x23: {  	s9 =	sor.u32 $0xD0000000, s2;
	s6 =	simm.s32 $0x108;
	_ =	swait.ge @!p0 [sflag:s8], $0x0  }
0x24: {  	s3 =	sadd.s32 $0x88, s3;
	s6 =	simm.s32 @!p1 $0x1082;
	[sflag:s4] =	ssyncset.s32 $0xFFFFF086  }
0x25: {  	[simem:s6], [sflag:s4] =	dma.local [hbm:s3], $0xF7A  }
0x26: {  	[smem:$0x3F97] =	sst s1;
	(tag) =	ssettag s2;
	_ =	strace s9  }
0x27: {  	s1 =	sld [smem:$0x3FA7]  }
0x28: {  	s2 =	sld [smem:$0x3FA8]  }
0x29: {  	s4 =	sld [smem:$0x3FAA]  }
0x2a: {  	p0 =	seq.s32 s5, $0x0;
	s5 =	sld [smem:$0x3FAB]  }
0x2b: {  	s6 =	sld [smem:$0x3FAC]  }
0x2c: {  	s7 =	sld [smem:$0x3FAD]  }
0x2d: {  	s3 =	simm.s32 $0x108;
	s8 =	sld [smem:$0x3FAE]  }
0x2e: {  	s3 =	simm.s32 @!p0 $0x1082;
	s9 =	sld [smem:$0x3FAF]  }
0x2f: {  	lr =	sadd.s32 s0, s3;
	s0 =	sld [smem:$0x3FA6]  }
0x30: {  	s3 =	sld [smem:$0x3FA9]  }
0x31: {  	[smem:$0x3FB2] =	sst s10  }
0x32: {  	s10 =	sld [smem:$0x3FB0];
	_ =	sdelay $0x3  }
0x33: {  	p0 =	seq.s32 s10, $0x1;
	s10 =	sld [smem:$0x3FB2];
	_ =	sdelay $0x3  }
0x34: {  	[smem:$0x3FB2] =	sst s10  }
0x35: {  	s10 =	sld [smem:$0x3FB1];
	_ =	sdelay $0x3  }
0x36: {  	p1 =	seq.s32 s10, $0x1;
	s10 =	sld [smem:$0x3FB2];
	_ =	sdelay $0x3  }
0x37: {  	[smem:$0x3FB2] =	sst s10  }
0x38: {  	s10 =	sld [smem:$0x3FB3]  }
0x39: {  	_ = 	snop;
	(pc) =	sbr.ind lr, $3  }
0x3a: {  	_ = 	snop  }
0x3b: {  	_ = 	snop  }
0x3c: {  	p2 =	seq.s32 s10, $0x1;
	s10 =	sld [smem:$0x3FB2]  }
0x3d: {  	_ =	shalt  }
0x3e: {  	_ =	shalt  }
0x3f: {  	_ =	shalt  }
0x40: {  	_ =	shalt  }
0x41: {  	_ =	shalt  }
0x42: {  	_ =	shalt  }
0x43: {  	_ =	shalt  }
0x44: {  	_ =	shalt  }
0x45: {  	_ =	shalt  }
0x46: {  	_ =	shalt  }
0x47: {  	_ =	shalt  }
0x48: {  	_ =	shalt  }
0x49: {  	_ =	shalt  }
0x4a: {  	_ =	shalt  }
0x4b: {  	_ =	shalt  }
0x4c: {  	_ =	shalt  }
0x4d: {  	_ =	shalt  }
0x4e: {  	_ =	shalt  }
0x4f: {  	_ =	shalt  }
0x50: {  	_ =	shalt  }
0x51: {  	_ =	shalt  }
0x52: {  	_ =	shalt  }
0x53: {  	_ =	shalt  }
0x54: {  	_ =	shalt  }
0x55: {  	_ =	shalt  }
0x56: {  	_ =	shalt  }
0x57: {  	_ =	shalt  }
0x58: {  	_ =	shalt  }
0x59: {  	_ =	shalt  }
0x5a: {  	_ =	shalt  }
0x5b: {  	_ =	shalt  }
0x5c: {  	_ =	shalt  }
0x5d: {  	_ =	shalt  }
0x5e: {  	_ =	shalt  }
0x5f: {  	_ =	shalt  }
0x60: {  	_ =	shalt  }
0x61: {  	_ =	shalt  }
0x62: {  	_ =	shalt  }
0x63: {  	_ =	shalt  }
0x64: {  	_ =	shalt  }
0x65: {  	_ =	shalt  }
0x66: {  	_ =	shalt  }
0x67: {  	_ =	shalt  }
0x68: {  	_ =	shalt  }
0x69: {  	_ =	shalt  }
0x6a: {  	_ =	shalt  }
0x6b: {  	_ =	shalt  }
0x6c: {  	_ =	shalt  }
0x6d: {  	_ =	shalt  }
0x6e: {  	_ =	shalt  }
0x6f: {  	_ =	shalt  }
0x70: {  	_ =	shalt  }
0x71: {  	_ =	shalt  }
0x72: {  	_ =	shalt  }
0x73: {  	_ =	shalt  }
0x74: {  	_ =	shalt  }
0x75: {  	_ =	shalt  }
0x76: {  	_ =	shalt  }
0x77: {  	_ =	shalt  }
0x78: {  	_ =	shalt  }
0x79: {  	_ =	shalt  }
0x7a: {  	_ =	shalt  }
0x7b: {  	_ =	shalt  }
0x7c: {  	_ =	shalt  }
0x7d: {  	_ =	shalt  }
0x7e: {  	_ =	shalt  }
0x7f: {  	_ =	shalt  }
0x80: {  	_ =	shalt  }
0x81: {  	_ =	shalt  }
0x82: {  	_ =	shalt  }
0x83: {  	_ =	shalt  }
0x84: {  	_ =	shalt  }
0x85: {  	_ =	shalt  }
0x86: {  	_ =	shalt  }
0x87: {  	_ =	shalt  }
.Lfunc_end0:
.L_simem_size_0:
called_computation_lowered:
.L_overlay_start_0:
0x88: {  	s0 =	sld [smem:$0x3FD9]  }
0x89: {  	s1 =	sld [smem:$0x3FFE];
	_ =	sdelay $0x3  }
0x8a: {  	s0 =	sadd.s32 s1, s0  }
0x8b: {  	[smem:$0x3FBE] =	sst s0  }
0x8c: {  	_ = 	snop  }
0x8d: {  	s0 =	sld [smem:$0x3FC7]  }
0x8e: {  	s16 =	sld [smem:$0x3FC6]  }
0x8f: {  	s2 =	sld [smem:$0x3FD0];
	(tm) =	ssettm $0x1  }
0x90: {  	s3 =	sld [smem:$0x3FFB];
	_ =	sdelay $0x3  }
0x91: {  	_ =	strace s3  }
0x92: {  	s3 =	sld [smem:$0x3FFC];
	_ =	sdelay $0x3  }
0x93: {  	_ =	strace s3  }
0x94: {  	s3 =	sld [smem:$0x3FFD];
	_ =	sdelay $0x3  }
0x95: {  	_ =	strace s3  }
0x96: {  	_ =	strace $0x8FFFFFFF  }
0x97: {  	s17 =	sld [smem:$0x3FDB];
	_ =	sdelay $0x1  }
0x98: {  	s4 =	simm.s32 $_scs_section_size  }
0x99: {  	s5 =	simm.s32 $_size__tile_overlayer_lowered;
	s6 =	simm.s32 $_tile_overlayer_lowered  }
0x9a: {  	s20 =	simm.s32 $0x1BFF;
	s19 =	sshll.u32 s6, $0x1;
	s3 =	sadd.s32 s4, s17  }
0x9b: {  	s7 =	simm.s32 $0x0;
	s18 =	sshll.u32 s5, $0x1;
	s5 =	sadd.s32 s19, s3  }
0x9c: {  	[timem:s7], [sflag:s20] =	dma.local [hbm:s5], s18  }
0x9d: {  	_ =	swait.ge [sflag:s20], s18  }
0x9e: {  	s4 =	ssub.s32 $0x0, s18;
	[sflag:s20] =	ssyncset.done $0x0  }
0x9f: {  	[sflag:s20] =	ssyncadd.s32 s4;
	_ =	sdelay $0x1  }
0xa0: {  	s21 =	simm.s32 $0x1B8B  }
0xa1: {  	_ =	swait.ge [sflag:s21], $0x1  }
0xa2: {  	[sflag:s21] =	ssyncset.done $0x0  }
0xa3: {  	s23 =	simm.s32 $0x1B8E;
	s22 =	sld [smem:$0x3FFE];
	[sflag:s21] =	ssyncadd.s32 $0xFFFFFFFF  }
0xa4: {  	s24 =	simm.s32 $execute0_lowered;
	[smem:$0x3FD2] =	sst s23  }
0xa5: {  	s5 =	sshll.u32 s24, $0x1;
	_ =	strace $0x80000046;
	[dreg:$0x1] =	wrdreg $0xFFFFFFFF  }
0xa6: {  	s25 =	simm.s32 $_size_execute0_lowered;
	s3 =	sadd.s32 s3, s5;
	[dreg:$0x0] =	wrdreg $0x0  }
0xa7: {  	s5 =	sshll.u32 s25, $0x1;
	[dreg:$0x2] =	wrdreg s3  }
0xa8: {  	[dreg:$0x3] =	wrdreg s5  }
0xa9: {  	[dreg:$0x4] =	wrdreg $0xC0  }
0xaa: {  	_ =	task [dreg:s7], $0x5FFFF  }
0xab: {  	[dreg:$0x1] =	wrdreg $0xFFFFFFFF  }
0xac: {  	[dreg:$0x0] =	wrdreg $0x60  }
0xad: {  	[dreg:$0x2] =	wrdreg s22  }
0xae: {  	[dreg:$0x3] =	wrdreg s0  }
0xaf: {  	[dreg:$0x4] =	wrdreg s16  }
0xb0: {  	[dreg:$0x5] =	wrdreg s2  }
0xb1: {  	[dreg:$0x6] =	wrdreg $0x9  }
0xb2: {  	_ =	task.clear_ibuf [dreg:s7], $0x7FFFF;
	_ =	strace $0x90000046  }
0xb3: {  	s26 =	simm.s32 $0x9;
	_ =	strace $0x80000048  }
0xb4: {  	_ =	swait.ge [sflag:s26], $0x1  }
0xb5: {  	[sflag:s26] =	ssyncadd.s32 $0xFFFFFFFF  }
0xb6: {  	_ =	strace $0x90000048  }
0xb7: {  	_ =	sfence  }
0xb8: {  	s28 =	sld [smem:$0x0];
	_ =	sdelay $0x1  }
0xb9: {  	s29 =	srdreg.scid  }
0xba: {  	s30 =	sshll.u32 s29, $0xD;
	s31 =	sshrl.u32 s29, $0x2  }
0xbb: {  	s1 =	sand.u32 $0x1, s29;
	s2 =	sand.u32 $0x4000, s30;
	s0 =	sadd.s32 s31, s28  }
0xbc: {  	s1 =	sor.u32 s2, s1;
	s0 =	sshll.u32 s0, $0x11  }
0xbd: {  	s0 =	sor.u32 s0, s1  }
0xbe: {  	s0 =	sadd.s32 $0x8F2B, s0  }
0xbf: {  	[sflag:s0] =	ssyncadd.remote.s32 $0x1  }
0xc0: {  	_ =	sfence.sel $0xFFFF  }
0xc1: {  	[dreg:$0x0] =	wrdreg $0xFFFFFFFF;
	(pc) =	sbr.abs _section_cstart, $3  }
0xc2: {  	[dreg:$0x1] =	wrdreg $0xFFFFFFFF  }
0xc3: {  	_ =	task.clear_ibuf [dreg:s7], $0x2FFFF;
	_ =	strace $0x9FFFFFFF  }
0xc4: {  	(tm) =	ssettm $0x7FFFFFFF  }
0xc5: {  	_ =	shalt  }
tec
execute0_lowered:
.L_overlay_start_1:
0x0: {  	(tag) =	ssettag $0x1  }
0x1: {  	s2 =	rddreg [dreg:$0x0]  }
0x2: {  	s3 =	rddreg [dreg:$0x1]  }
0x3: {  	s4 =	rddreg [dreg:$0x2]  }
0x4: {  	s5 =	rddreg [dreg:$0x3];
	s6 =	simm.s32 $0x0;
	s1 =	stileid.u32  }
0x5: {  	[smem:$0x7FF] =	sst s6;
	s7 =	sshll.u32 s1, $0x8  }
0x6: {  	s0 =	rddreg [dreg:$0x4];
	_ =	strace $0x80000047;
	s8 =	sadd.s32 s2, s7  }
0x7: {  	[tilespmem:s6], [sflag:$0x1] =	stream.linear.gather [hbm4b:s8+s6], $0x800, $0x38;
	[tilespmem:$0x3280] =	vst v63  }
0x8: {  	s10 =	simm.s32 $0x800;
	s9 =	sadd.s32 $0x1000, s8  }
0x9: {  	[tilespmem:s10], [sflag:$0x1] =	stream.linear.gather [hbm4b:s9+s6], $0x800, $0x38;
	[tilespmem:$0x3280] =	vst v63  }
0xa: {  	s25 =	simm.s32 $0x1000;
	s8 =	sadd.s32 $0x2000, s8  }
0xb: {  	[tilespmem:s25], [sflag:$0x1] =	stream.linear.gather [hbm4b:s8+s6], $0x800, $0x38;
	[tilespmem:$0x3280] =	vst v63  }
0xc: {  	s26 =	simm.s32 $0x1800;
	s3 =	sadd.s32 s3, s7  }
0xd: {  	[tilespmem:s26], [sflag:$0x1] =	stream.linear.gather [hbm4b:s3+s6], $0x800, $0x38;
	[tilespmem:$0x3280] =	vst v63  }
0xe: {  	s29 =	simm.s32 $0x2000;
	s28 =	sadd.s32 s4, s7  }
0xf: {  	[tilespmem:s29], [sflag:$0x1] =	stream.linear.gather [hbm4b:s28+s6], $0x800, $0x38;
	[tilespmem:$0x3280] =	vst v63  }
0x10: {  	s3 =	simm.s32 $0x2800  }
0x11: {  	v0 =	vimm.f32 $0.0e+00;
	[tilespmem:s3], [sflag:$0x1] =	stream.linear.gather [hbm4b:s5+s6], $0x80, $0x38;
	[tilespmem:$0x3280] =	vst v63  }
0x12: {  	[tilespmem:$0x2880] =	vst v0  }
0x13: {  	[tilespmem:$0x2890] =	vst v0  }
0x14: {  	[tilespmem:$0x28A0] =	vst v0  }
0x15: {  	[tilespmem:$0x28B0] =	vst v0  }
0x16: {  	[tilespmem:$0x28C0] =	vst v0  }
0x17: {  	[tilespmem:$0x28D0] =	vst v0  }
0x18: {  	[tilespmem:$0x28E0] =	vst v0  }
0x19: {  	[tilespmem:$0x28F0] =	vst v0  }
0x1a: {  	[tilespmem:$0x2C80] =	vst v0  }
0x1b: {  	[tilespmem:$0x2C90] =	vst v0  }
0x1c: {  	[tilespmem:$0x2CA0] =	vst v0  }
0x1d: {  	[tilespmem:$0x2CB0] =	vst v0  }
0x1e: {  	[tilespmem:$0x2CC0] =	vst v0  }
0x1f: {  	[tilespmem:$0x2CD0] =	vst v0  }
0x20: {  	[tilespmem:$0x2CE0] =	vst v0  }
0x21: {  	[tilespmem:$0x2CF0] =	vst v0  }
0x22: {  	[tilespmem:$0x2900] =	vst v0  }
0x23: {  	[tilespmem:$0x2910] =	vst v0  }
0x24: {  	[tilespmem:$0x2920] =	vst v0  }
0x25: {  	[tilespmem:$0x2930] =	vst v0  }
0x26: {  	[tilespmem:$0x2940] =	vst v0  }
0x27: {  	[tilespmem:$0x2950] =	vst v0  }
0x28: {  	[tilespmem:$0x2960] =	vst v0  }
0x29: {  	[tilespmem:$0x2970] =	vst v0  }
0x2a: {  	[tilespmem:$0x2D00] =	vst v0  }
0x2b: {  	[tilespmem:$0x2D10] =	vst v0  }
0x2c: {  	[tilespmem:$0x2D20] =	vst v0  }
0x2d: {  	[tilespmem:$0x2D30] =	vst v0  }
0x2e: {  	[tilespmem:$0x2D40] =	vst v0  }
0x2f: {  	[tilespmem:$0x2D50] =	vst v0  }
0x30: {  	[tilespmem:$0x2D60] =	vst v0  }
0x31: {  	[tilespmem:$0x2D70] =	vst v0  }
0x32: {  	[tilespmem:$0x2980] =	vst v0  }
0x33: {  	[tilespmem:$0x2990] =	vst v0  }
0x34: {  	[tilespmem:$0x29A0] =	vst v0  }
0x35: {  	[tilespmem:$0x29B0] =	vst v0  }
0x36: {  	[tilespmem:$0x29C0] =	vst v0  }
0x37: {  	[tilespmem:$0x29D0] =	vst v0  }
0x38: {  	[tilespmem:$0x29E0] =	vst v0  }
0x39: {  	[tilespmem:$0x29F0] =	vst v0  }
0x3a: {  	[tilespmem:$0x2D80] =	vst v0  }
0x3b: {  	[tilespmem:$0x2D90] =	vst v0  }
0x3c: {  	[tilespmem:$0x2DA0] =	vst v0  }
0x3d: {  	[tilespmem:$0x2DB0] =	vst v0  }
0x3e: {  	[tilespmem:$0x2DC0] =	vst v0  }
0x3f: {  	[tilespmem:$0x2DD0] =	vst v0  }
0x40: {  	[tilespmem:$0x2DE0] =	vst v0  }
0x41: {  	[tilespmem:$0x2DF0] =	vst v0  }
0x42: {  	[tilespmem:$0x2A00] =	vst v0  }
0x43: {  	[tilespmem:$0x2A10] =	vst v0  }
0x44: {  	[tilespmem:$0x2A20] =	vst v0  }
0x45: {  	[tilespmem:$0x2A30] =	vst v0  }
0x46: {  	[tilespmem:$0x2A40] =	vst v0  }
0x47: {  	[tilespmem:$0x2A50] =	vst v0  }
0x48: {  	[tilespmem:$0x2A60] =	vst v0  }
0x49: {  	[tilespmem:$0x2A70] =	vst v0  }
0x4a: {  	[tilespmem:$0x2E00] =	vst v0  }
0x4b: {  	[tilespmem:$0x2E10] =	vst v0  }
0x4c: {  	[tilespmem:$0x2E20] =	vst v0  }
0x4d: {  	[tilespmem:$0x2E30] =	vst v0  }
0x4e: {  	[tilespmem:$0x2E40] =	vst v0  }
0x4f: {  	[tilespmem:$0x2E50] =	vst v0  }
0x50: {  	[tilespmem:$0x2E60] =	vst v0  }
0x51: {  	[tilespmem:$0x2E70] =	vst v0  }
0x52: {  	[tilespmem:$0x2A80] =	vst v0  }
0x53: {  	[tilespmem:$0x2A90] =	vst v0  }
0x54: {  	[tilespmem:$0x2AA0] =	vst v0  }
0x55: {  	[tilespmem:$0x2AB0] =	vst v0  }
0x56: {  	[tilespmem:$0x2AC0] =	vst v0  }
0x57: {  	[tilespmem:$0x2AD0] =	vst v0  }
0x58: {  	[tilespmem:$0x2AE0] =	vst v0  }
0x59: {  	[tilespmem:$0x2AF0] =	vst v0  }
0x5a: {  	[tilespmem:$0x2E80] =	vst v0  }
0x5b: {  	[tilespmem:$0x2E90] =	vst v0  }
0x5c: {  	[tilespmem:$0x2EA0] =	vst v0  }
0x5d: {  	[tilespmem:$0x2EB0] =	vst v0  }
0x5e: {  	[tilespmem:$0x2EC0] =	vst v0  }
0x5f: {  	[tilespmem:$0x2ED0] =	vst v0  }
0x60: {  	[tilespmem:$0x2EE0] =	vst v0  }
0x61: {  	[tilespmem:$0x2EF0] =	vst v0  }
0x62: {  	[tilespmem:$0x2B00] =	vst v0  }
0x63: {  	[tilespmem:$0x2B10] =	vst v0  }
0x64: {  	[tilespmem:$0x2B20] =	vst v0  }
0x65: {  	[tilespmem:$0x2B30] =	vst v0  }
0x66: {  	[tilespmem:$0x2B40] =	vst v0  }
0x67: {  	[tilespmem:$0x2B50] =	vst v0  }
0x68: {  	[tilespmem:$0x2B60] =	vst v0  }
0x69: {  	[tilespmem:$0x2B70] =	vst v0  }
0x6a: {  	[tilespmem:$0x2F00] =	vst v0  }
0x6b: {  	[tilespmem:$0x2F10] =	vst v0  }
0x6c: {  	[tilespmem:$0x2F20] =	vst v0  }
0x6d: {  	[tilespmem:$0x2F30] =	vst v0  }
0x6e: {  	[tilespmem:$0x2F40] =	vst v0  }
0x6f: {  	[tilespmem:$0x2F50] =	vst v0  }
0x70: {  	[tilespmem:$0x2F60] =	vst v0  }
0x71: {  	[tilespmem:$0x2F70] =	vst v0  }
0x72: {  	[tilespmem:$0x2B80] =	vst v0  }
0x73: {  	[tilespmem:$0x2B90] =	vst v0  }
0x74: {  	[tilespmem:$0x2BA0] =	vst v0  }
0x75: {  	[tilespmem:$0x2BB0] =	vst v0  }
0x76: {  	[tilespmem:$0x2BC0] =	vst v0  }
0x77: {  	[tilespmem:$0x2BD0] =	vst v0  }
0x78: {  	[tilespmem:$0x2BE0] =	vst v0  }
0x79: {  	[tilespmem:$0x2BF0] =	vst v0  }
0x7a: {  	[tilespmem:$0x2F80] =	vst v0  }
0x7b: {  	[tilespmem:$0x2F90] =	vst v0  }
0x7c: {  	[tilespmem:$0x2FA0] =	vst v0  }
0x7d: {  	[tilespmem:$0x2FB0] =	vst v0  }
0x7e: {  	[tilespmem:$0x2FC0] =	vst v0  }
0x7f: {  	[tilespmem:$0x2FD0] =	vst v0  }
0x80: {  	[tilespmem:$0x2FE0] =	vst v0  }
0x81: {  	[tilespmem:$0x2FF0] =	vst v0  }
0x82: {  	[tilespmem:$0x2C00] =	vst v0  }
0x83: {  	[tilespmem:$0x2C10] =	vst v0  }
0x84: {  	[tilespmem:$0x2C20] =	vst v0  }
0x85: {  	[tilespmem:$0x2C30] =	vst v0  }
0x86: {  	[tilespmem:$0x2C40] =	vst v0  }
0x87: {  	[tilespmem:$0x2C50] =	vst v0  }
0x88: {  	[tilespmem:$0x2C60] =	vst v0  }
0x89: {  	[tilespmem:$0x2C70] =	vst v0  }
0x8a: {  	[tilespmem:$0x3000] =	vst v0  }
0x8b: {  	[tilespmem:$0x3010] =	vst v0  }
0x8c: {  	[tilespmem:$0x3020] =	vst v0  }
0x8d: {  	[tilespmem:$0x3030] =	vst v0  }
0x8e: {  	[tilespmem:$0x3040] =	vst v0  }
0x8f: {  	[tilespmem:$0x3050] =	vst v0  }
0x90: {  	[tilespmem:$0x3060] =	vst v0  }
0x91: {  	s30 =	simm.s32 $0x1;
	[tilespmem:$0x3070] =	vst v0  }
0x92: {  	_ =	swait.ge [sflag:s30], $0x800  }
0x93: {  	[sflag:s30] =	ssyncset.done $0x0  }
0x94: {  	[sflag:s30] =	ssyncadd.s32 $0xFFFFF800  }
0x95: {  	_ =	swait.ge [sflag:s30], $0x800  }
0x96: {  	[sflag:s30] =	ssyncset.done $0x0  }
0x97: {  	[sflag:s30] =	ssyncadd.s32 $0xFFFFF800  }
0x98: {  	_ =	swait.ge [sflag:s30], $0x800  }
0x99: {  	[sflag:s30] =	ssyncset.done $0x0  }
0x9a: {  	[sflag:s30] =	ssyncadd.s32 $0xFFFFF800  }
0x9b: {  	_ =	swait.ge [sflag:s30], $0x800  }
0x9c: {  	[sflag:s30] =	ssyncset.done $0x0  }
0x9d: {  	[sflag:s30] =	ssyncadd.s32 $0xFFFFF800  }
0x9e: {  	_ =	swait.ge [sflag:s30], $0x800  }
0x9f: {  	[sflag:s30] =	ssyncset.done $0x0  }
0xa0: {  	[sflag:s30] =	ssyncadd.s32 $0xFFFFF800  }
0xa1: {  	_ =	swait.ge [sflag:s30], $0x80  }
0xa2: {  	[sflag:s30] =	ssyncset.done $0x0  }
0xa3: {  	s31 =	simm.s32 $0x0;
	[sflag:s30] =	ssyncadd.s32 $0xFFFFFF80  }
0xa4: {  	v1 =	vld [tilespmem:s31+$0x1800]  }
0xa5: {  	v2 =	vld [tilespmem:s31+$0x2000];
	_ =	sdelay $0x1  }
0xa6: {  	v0 =	vlaneseq.u32  }
0xa7: {  	v0 =	vmul.u32 $0x10, v0;
	_ =	sdelay $0x1  }
0xa8: {  	v2 =	vadd.s32 v0, v2  }
0xa9: {  	v4 =	vld [tilespmem:s31+$0x0];
	v3 =	vshll.u32 v2, $0x3  }
0xaa: {  	v2 =	vand.u32 $0x7F, v2;
	v3 =	vand.u32 $0xFFFFFC00, v3;
	v1 =	vld.idx.msk [tilespmem:v1+s3+$0x0], $0xffff  }
0xab: {  	v5 =	vld [tilespmem:s31+$0x800];
	v2 =	vor.u32 v2, v3  }
0xac: {  	v3 =	vld [tilespmem:s31+$0x1000];
	v6 =	vor.u32 $0x80, v2  }
0xad: {  	v7 =	vor.u32 $0x100, v2  }
0xae: {  	v8 =	vor.u32 $0x180, v2  }
0xaf: {  	s4 =	simm.s32 $0x2880;
	v4 =	vmul.f32 v1, v4  }
0xb0: {  	v5 =	vmul.f32 v1, v5;
	[tilespmem:v2+s4+$0x0] =	vst.idx.add.f32.msk $0xffff, v1  }
0xb1: {  	v1 =	vmul.f32 v1, v3;
	[tilespmem:v6+s4+$0x0] =	vst.idx.add.f32.msk $0xffff, v4  }
0xb2: {  	[tilespmem:v7+s4+$0x0] =	vst.idx.add.f32.msk $0xffff, v5  }
0xb3: {  	[tilespmem:v8+s4+$0x0] =	vst.idx.add.f32.msk $0xffff, v1  }
0xb4: {  	v1 =	vld [tilespmem:s31+$0x1810]  }
0xb5: {  	v2 =	vld [tilespmem:s31+$0x2010];
	_ =	sdelay $0x4  }
0xb6: {  	v2 =	vadd.s32 v0, v2  }
0xb7: {  	v3 =	vshll.u32 v2, $0x3  }
0xb8: {  	v4 =	vld.idx.msk [tilespmem:v1+s3+$0x0], $0xffff;
	v1 =	vand.u32 $0x7F, v2;
	v2 =	vand.u32 $0xFFFFFC00, v3  }
0xb9: {  	v3 =	vld [tilespmem:s31+$0x10];
	v1 =	vor.u32 v1, v2  }
0xba: {  	v2 =	vld [tilespmem:s31+$0x810];
	v61 =	vor.u32 $0x200, v1  }
0xbb: {  	v62 =	vor.u32 $0x280, v1  }
0xbc: {  	v7 =	vld [tilespmem:s31+$0x1010];
	v63 =	vor.u32 $0x300, v1;
	_ =	sdelay $0x1  }
0xbd: {  	v1 =	vor.u32 $0x380, v1;
	v3 =	vmul.f32 v4, v3  }
0xbe: {  	v9 =	vmul.f32 v4, v2;
	[tilespmem:v61+s4+$0x0] =	vst.idx.add.f32.msk $0xffff, v4  }
0xbf: {  	[tilespmem:v62+s4+$0x0] =	vst.idx.add.f32.msk $0xffff, v3  }
0xc0: {  	s2 =	sadd.s32 $0x3000, s2;
	s5 =	simm.s32 $0x80;
	s6 =	simm.s32 $0x100;
	v2 =	vmul.f32 v4, v7;
	[tilespmem:v63+s4+$0x0] =	vst.idx.add.f32.msk $0xffff, v9  }
.LBB2_1:
0xc1: {  	p0 =	sne.s32 s6, $0x1F80  }
0xc2: {  	s7 =	sshra.s32 s5, $0x2;
	[tilespmem:v1+s4+$0x0] =	vst.idx.add.f32.msk $0xffff, v2;
	s5 =	smov.u32 s6;
	s6 =	sadd.s32 $0x80, s6  }
0xc3: {  	v1 =	vld [tilespmem:s7+$0x1800];
	_ =	sdelay $0x1  }
0xc4: {  	v2 =	vld [tilespmem:s7+$0x2000];
	_ =	sdelay $0x4  }
0xc5: {  	v2 =	vadd.s32 v0, v2  }
0xc6: {  	v1 =	vld.idx.msk [tilespmem:v1+s3+$0x0], $0xffff;
	v3 =	vshll.u32 v2, $0x3  }
0xc7: {  	v2 =	vand.u32 $0x7F, v2;
	v4 =	vld [tilespmem:s7+$0x0];
	v3 =	vand.u32 $0xFFFFFC00, v3  }
0xc8: {  	v5 =	vld [tilespmem:s7+$0x800];
	v2 =	vor.u32 v2, v3  }
0xc9: {  	v3 =	vld [tilespmem:s7+$0x1000];
	v6 =	vor.u32 $0x80, v2  }
0xca: {  	v7 =	vor.u32 $0x100, v2  }
0xcb: {  	v8 =	vor.u32 $0x180, v2  }
0xcc: {  	v4 =	vmul.f32 v1, v4  }
0xcd: {  	v5 =	vmul.f32 v1, v5;
	[tilespmem:v2+s4+$0x0] =	vst.idx.add.f32.msk $0xffff, v1  }
0xce: {  	v1 =	vmul.f32 v1, v3;
	[tilespmem:v6+s4+$0x0] =	vst.idx.add.f32.msk $0xffff, v4  }
0xcf: {  	[tilespmem:v7+s4+$0x0] =	vst.idx.add.f32.msk $0xffff, v5  }
0xd0: {  	[tilespmem:v8+s4+$0x0] =	vst.idx.add.f32.msk $0xffff, v1  }
0xd1: {  	v1 =	vld [tilespmem:s7+$0x1810]  }
0xd2: {  	v2 =	vld [tilespmem:s7+$0x2010];
	_ =	sdelay $0x4  }
0xd3: {  	v2 =	vadd.s32 v0, v2  }
0xd4: {  	v3 =	vshll.u32 v2, $0x3  }
0xd5: {  	v4 =	vld.idx.msk [tilespmem:v1+s3+$0x0], $0xffff;
	v1 =	vand.u32 $0x7F, v2;
	v2 =	vand.u32 $0xFFFFFC00, v3  }
0xd6: {  	v3 =	vld [tilespmem:s7+$0x10];
	v1 =	vor.u32 v1, v2  }
0xd7: {  	v2 =	vld [tilespmem:s7+$0x810];
	v5 =	vor.u32 $0x200, v1  }
0xd8: {  	v7 =	vor.u32 $0x280, v1;
	v6 =	vld [tilespmem:s7+$0x1010]  }
0xd9: {  	v8 =	vor.u32 $0x300, v1  }
.Ltmp0:
0xda: {  	v1 =	vor.u32 $0x380, v1;
	(pc) =	sbr.rel @p0 .LBB2_1-.Ltmp0, $4  }
0xdb: {  	v3 =	vmul.f32 v4, v3  }
0xdc: {  	v9 =	vmul.f32 v4, v2;
	[tilespmem:v5+s4+$0x0] =	vst.idx.add.f32.msk $0xffff, v4  }
0xdd: {  	v2 =	vmul.f32 v4, v6;
	[tilespmem:v7+s4+$0x0] =	vst.idx.add.f32.msk $0xffff, v3  }
0xde: {  	[tilespmem:v8+s4+$0x0] =	vst.idx.add.f32.msk $0xffff, v9  }
0xdf: {  	_ =	sdelay $0x3  }
0xe0: {  	s5 =	sshra.s32 s5, $0x2;
	[tilespmem:v1+s4+$0x0] =	vst.idx.add.f32.msk $0xffff, v2  }
0xe1: {  	v1 =	vld [tilespmem:s5+$0x1800]  }
0xe2: {  	v2 =	vld [tilespmem:s5+$0x2000];
	_ =	sdelay $0x4  }
0xe3: {  	v2 =	vadd.s32 v0, v2  }
0xe4: {  	v4 =	vld [tilespmem:s5+$0x0];
	v3 =	vshll.u32 v2, $0x3  }
0xe5: {  	v2 =	vand.u32 $0x7F, v2;
	v3 =	vand.u32 $0xFFFFFC00, v3;
	v1 =	vld.idx.msk [tilespmem:v1+s3+$0x0], $0xffff  }
0xe6: {  	v5 =	vld [tilespmem:s5+$0x800];
	v2 =	vor.u32 v2, v3  }
0xe7: {  	v18 =	vld [tilespmem:s5+$0x1000];
	v6 =	vor.u32 $0x80, v2  }
0xe8: {  	v7 =	vor.u32 $0x100, v2  }
0xe9: {  	v8 =	vor.u32 $0x180, v2  }
0xea: {  	v4 =	vmul.f32 v1, v4  }
0xeb: {  	v5 =	vmul.f32 v1, v5;
	[tilespmem:v2+s4+$0x0] =	vst.idx.add.f32.msk $0xffff, v1  }
0xec: {  	v1 =	vmul.f32 v1, v18;
	[tilespmem:v6+s4+$0x0] =	vst.idx.add.f32.msk $0xffff, v4  }
0xed: {  	[tilespmem:v7+s4+$0x0] =	vst.idx.add.f32.msk $0xffff, v5  }
0xee: {  	[tilespmem:v8+s4+$0x0] =	vst.idx.add.f32.msk $0xffff, v1  }
0xef: {  	v1 =	vld [tilespmem:s5+$0x1810]  }
0xf0: {  	v2 =	vld [tilespmem:s5+$0x2010];
	_ =	sdelay $0x4  }
0xf1: {  	v19 =	vadd.s32 v0, v2  }
0xf2: {  	v2 =	vshll.u32 v19, $0x3  }
0xf3: {  	v20 =	vld [tilespmem:s5+$0x10];
	v0 =	vand.u32 $0x7F, v19;
	v2 =	vand.u32 $0xFFFFFC00, v2  }
0xf4: {  	v1 =	vld.idx.msk [tilespmem:v1+s3+$0x0], $0xffff;
	v0 =	vor.u32 v0, v2  }
0xf5: {  	v21 =	vld [tilespmem:s5+$0x810];
	v22 =	vor.u32 $0x200, v0  }
0xf6: {  	v5 =	vld [tilespmem:s5+$0x1010];
	v23 =	vor.u32 $0x280, v0  }
0xf7: {  	v24 =	vor.u32 $0x300, v0  }
0xf8: {  	v0 =	vor.u32 $0x380, v0  }
0xf9: {  	v3 =	vmul.f32 v1, v20  }
0xfa: {  	v2 =	vmul.f32 v1, v21;
	[tilespmem:v22+s4+$0x0] =	vst.idx.add.f32.msk $0xffff, v1  }
0xfb: {  	v1 =	vmul.f32 v1, v5;
	[tilespmem:v23+s4+$0x0] =	vst.idx.add.f32.msk $0xffff, v3  }
0xfc: {  	[tilespmem:v24+s4+$0x0] =	vst.idx.add.f32.msk $0xffff, v2  }
0xfd: {  	[tilespmem:v0+s4+$0x0] =	vst.idx.add.f32.msk $0xffff, v1  }
0xfe: {  	v0 =	vld [tilespmem:$0x2880]  }
0xff: {  	v1 =	vld [tilespmem:$0x2A80]  }
0x100: {  	v2 =	vld [tilespmem:$0x2890]  }
0x101: {  	v3 =	vld [tilespmem:$0x2A90]  }
0x102: {  	v4 =	vld [tilespmem:$0x28A0]  }
0x103: {  	v5 =	vld [tilespmem:$0x2AA0]  }
0x104: {  	v6 =	vld [tilespmem:$0x28B0]  }
0x105: {  	v7 =	vld [tilespmem:$0x2AB0]  }
0x106: {  	v8 =	vld [tilespmem:$0x28C0]  }
0x107: {  	v9 =	vld [tilespmem:$0x2AC0]  }
0x108: {  	v10 =	vld [tilespmem:$0x28D0]  }
0x109: {  	v11 =	vld [tilespmem:$0x2AD0]  }
0x10a: {  	v12 =	vld [tilespmem:$0x28E0]  }
0x10b: {  	v13 =	vld [tilespmem:$0x2AE0]  }
0x10c: {  	v14 =	vld [tilespmem:$0x28F0]  }
0x10d: {  	v15 =	vld [tilespmem:$0x2AF0]  }
0x10e: {  	v16 =	vld [tilespmem:$0x2C80]  }
0x10f: {  	v17 =	vld [tilespmem:$0x2E80]  }
0x110: {  	v23 =	vld [tilespmem:$0x2C90]  }
0x111: {  	v21 =	vld [tilespmem:$0x2E90]  }
0x112: {  	v27 =	vld [tilespmem:$0x2CA0]  }
0x113: {  	v26 =	vld [tilespmem:$0x2EA0]  }
0x114: {  	v30 =	vld [tilespmem:$0x2CB0]  }
0x115: {  	v29 =	vld [tilespmem:$0x2EB0]  }
0x116: {  	v18 =	vld [tilespmem:$0x2CC0]  }
0x117: {  	v31 =	vld [tilespmem:$0x2EC0]  }
0x118: {  	v25 =	vld [tilespmem:$0x2CD0]  }
0x119: {  	v28 =	vld [tilespmem:$0x2ED0]  }
0x11a: {  	v32 =	vld [tilespmem:$0x2CE0]  }
0x11b: {  	v33 =	vld [tilespmem:$0x2EE0]  }
0x11c: {  	v34 =	vld [tilespmem:$0x2CF0]  }
0x11d: {  	v35 =	vld [tilespmem:$0x2EF0]  }
0x11e: {  	v36 =	vld [tilespmem:$0x2920]  }
0x11f: {  	v37 =	vld [tilespmem:$0x2B20]  }
0x120: {  	v38 =	vld [tilespmem:$0x2930]  }
0x121: {  	v39 =	vld [tilespmem:$0x2B30]  }
0x122: {  	v40 =	vld [tilespmem:$0x2940]  }
0x123: {  	v41 =	vld [tilespmem:$0x2B40]  }
0x124: {  	v42 =	vld [tilespmem:$0x2950]  }
0x125: {  	v43 =	vld [tilespmem:$0x2B50]  }
0x126: {  	v44 =	vld [tilespmem:$0x2960]  }
0x127: {  	v45 =	vld [tilespmem:$0x2B60]  }
0x128: {  	v46 =	vld [tilespmem:$0x2970]  }
0x129: {  	v47 =	vld [tilespmem:$0x2B70]  }
0x12a: {  	v48 =	vld [tilespmem:$0x2D00]  }
0x12b: {  	v49 =	vld [tilespmem:$0x2F00]  }
0x12c: {  	v50 =	vld [tilespmem:$0x2D10]  }
0x12d: {  	v51 =	vld [tilespmem:$0x2F10]  }
0x12e: {  	v52 =	vld [tilespmem:$0x2D20]  }
0x12f: {  	v53 =	vld [tilespmem:$0x2F20]  }
0x130: {  	v54 =	vld [tilespmem:$0x2D30]  }
0x131: {  	v55 =	vld [tilespmem:$0x2F30]  }
0x132: {  	v56 =	vld [tilespmem:$0x2D40]  }
0x133: {  	v57 =	vld [tilespmem:$0x2F40]  }
0x134: {  	v58 =	vld [tilespmem:$0x2D50]  }
0x135: {  	v59 =	vld [tilespmem:$0x2F50]  }
0x136: {  	v60 =	vld [tilespmem:$0x2D60]  }
0x137: {  	v61 =	vld [tilespmem:$0x2F60]  }
0x138: {  	v62 =	vld [tilespmem:$0x2D70]  }
0x139: {  	v63 =	vld [tilespmem:$0x2F70]  }
0x13a: {  	v22 =	vld [tilespmem:$0x2980]  }
0x13b: {  	v20 =	vld [tilespmem:$0x2B80]  }
0x13c: {  	v19 =	vld [tilespmem:$0x2990]  }
0x13d: {  	v24 =	vld [tilespmem:$0x2BA0]  }
0x13e: {  	[tilespmem:$0x1FFC0] =	vst v32;
	v32 =	vld [tilespmem:$0x2900]  }
0x13f: {  	[tilespmem:$0x1FFD0] =	vst v33;
	v33 =	vld [tilespmem:$0x2B00]  }
0x140: {  	[tilespmem:$0x1FFE0] =	vst v34;
	v34 =	vld [tilespmem:$0x2910]  }
0x141: {  	[tilespmem:$0x1FFF0] =	vst v35;
	v35 =	vld [tilespmem:$0x2B10]  }
0x142: {  	[tilespmem:$0x1FF90] =	vst v18;
	v18 =	vld [tilespmem:$0x2B90]  }
0x143: {  	[tilespmem:$0x1FFA0] =	vst v25;
	v25 =	vld [tilespmem:$0x29A0]  }
0x144: {  	[tilespmem:$0x1FFB0] =	vst v28;
	v28 =	vld [tilespmem:$0x29B0]  }
0x145: {  	v0 =	vadd.f32 v1, v0;
	v1 =	vadd.f32 v3, v2;
	v2 =	vld [tilespmem:$0x2BB0]  }
0x146: {  	v36 =	vadd.f32 v37, v36;
	v37 =	vadd.f32 v7, v6;
	v6 =	vld [tilespmem:$0x2BD0]  }
0x147: {  	v7 =	vld [tilespmem:$0x29E0]  }
0x148: {  	v38 =	vadd.f32 v39, v38;
	v39 =	vadd.f32 v9, v8;
	v8 =	vld [tilespmem:$0x2BE0]  }
0x149: {  	v9 =	vld [tilespmem:$0x29F0]  }
0x14a: {  	v40 =	vadd.f32 v41, v40;
	v41 =	vadd.f32 v11, v10;
	v10 =	vld [tilespmem:$0x2BF0]  }
0x14b: {  	v11 =	vld [tilespmem:$0x2D80]  }
0x14c: {  	v0 =	vadd.f32 v1, v0;
	v1 =	vadd.f32 v5, v4;
	v4 =	vld [tilespmem:$0x2BC0]  }
0x14d: {  	v3 =	vadd.f32 v33, v32;
	v33 =	vld [tilespmem:$0x29C0]  }
0x14e: {  	v32 =	vadd.f32 v35, v34;
	v35 =	vadd.f32 v13, v12;
	v12 =	vld [tilespmem:$0x2F80]  }
0x14f: {  	v13 =	vld [tilespmem:$0x2D90]  }
0x150: {  	v34 =	vadd.f32 v43, v42;
	v43 =	vadd.f32 v26, v27;
	v26 =	vld [tilespmem:$0x2FC0]  }
0x151: {  	v27 =	vld [tilespmem:$0x2DD0]  }
0x152: {  	v42 =	vadd.f32 v51, v50;
	v50 =	vld [tilespmem:$0x1FFB0]  }
0x153: {  	v51 =	vadd.f32 v59, v58;
	v58 =	vld [tilespmem:$0x1FFE0]  }
0x154: {  	v0 =	vadd.f32 v1, v0;
	v59 =	vld [tilespmem:$0x1FFF0]  }
0x155: {  	v18 =	vadd.f32 v18, v19;
	v19 =	vld [tilespmem:$0x2E10];
	v3 =	vadd.f32 v32, v3  }
0x156: {  	v0 =	vadd.f32 v37, v0;
	v37 =	vadd.f32 v15, v14;
	v14 =	vld [tilespmem:$0x2F90]  }
0x157: {  	v15 =	vld [tilespmem:$0x2DA0];
	v3 =	vadd.f32 v36, v3  }
0x158: {  	v32 =	vld [tilespmem:$0x29D0];
	v0 =	vadd.f32 v39, v0  }
0x159: {  	v39 =	vadd.f32 v17, v16;
	v16 =	vld [tilespmem:$0x2FA0];
	v3 =	vadd.f32 v38, v3  }
0x15a: {  	v17 =	vld [tilespmem:$0x2DB0];
	v36 =	vadd.f32 v45, v44;
	v0 =	vadd.f32 v41, v0  }
0x15b: {  	v45 =	vadd.f32 v29, v30;
	v29 =	vld [tilespmem:$0x2FD0];
	v3 =	vadd.f32 v40, v3  }
0x15c: {  	v44 =	vadd.f32 v53, v52;
	v30 =	vld [tilespmem:$0x2DE0];
	v0 =	vadd.f32 v35, v0  }
0x15d: {  	v52 =	vld [tilespmem:$0x2A00];
	v41 =	vadd.f32 v21, v23;
	v3 =	vadd.f32 v34, v3  }
0x15e: {  	v53 =	vld [tilespmem:$0x1FFC0];
	v38 =	vadd.f32 v47, v46;
	v0 =	vadd.f32 v37, v0  }
0x15f: {  	v21 =	vld [tilespmem:$0x2FB0];
	v46 =	vadd.f32 v55, v54;
	v3 =	vadd.f32 v36, v3  }
0x160: {  	v47 =	vld [tilespmem:$0x1FF90];
	v40 =	vadd.f32 v49, v48;
	v0 =	vadd.f32 v39, v0  }
0x161: {  	v55 =	vld [tilespmem:$0x2C00];
	v48 =	vadd.f32 v57, v56;
	v3 =	vadd.f32 v38, v3  }
0x162: {  	v49 =	vld [tilespmem:$0x1FFA0];
	v56 =	vadd.f32 v61, v60;
	v0 =	vadd.f32 v41, v0  }
0x163: {  	v61 =	vadd.f32 v63, v62;
	v62 =	vld [tilespmem:$0x2A20];
	v3 =	vadd.f32 v40, v3  }
0x164: {  	v2 =	vadd.f32 v2, v28;
	v63 =	vld [tilespmem:$0x2C20];
	v0 =	vadd.f32 v43, v0  }
0x165: {  	v54 =	vld [tilespmem:$0x1FFD0];
	v1 =	vadd.f32 v31, v47;
	v3 =	vadd.f32 v42, v3  }
0x166: {  	v57 =	vld [tilespmem:$0x2A10];
	v47 =	vadd.f32 v55, v52;
	v0 =	vadd.f32 v45, v0  }
0x167: {  	v60 =	vld [tilespmem:$0x2C10];
	v45 =	vadd.f32 v20, v22;
	v3 =	vadd.f32 v44, v3  }
0x168: {  	v23 =	vld [tilespmem:$0x2DC0];
	v0 =	vadd.f32 v1, v0;
	v1 =	vadd.f32 v50, v49  }
0x169: {  	v35 =	vld [tilespmem:$0x2FF0];
	v52 =	vadd.f32 v63, v62;
	v3 =	vadd.f32 v46, v3  }
0x16a: {  	v34 =	vld [tilespmem:$0x2DF0];
	v5 =	vadd.f32 v18, v45;
	v0 =	vadd.f32 v1, v0  }
0x16b: {  	v44 =	vld [tilespmem:$0x2A30];
	v1 =	vadd.f32 v54, v53;
	v3 =	vadd.f32 v48, v3  }
0x16c: {  	v50 =	vadd.f32 v24, v25;
	v46 =	vld [tilespmem:$0x2C30];
	v48 =	vadd.f32 v60, v57  }
0x16d: {  	v49 =	vld [tilespmem:$0x2A40];
	v0 =	vadd.f32 v1, v0;
	v3 =	vadd.f32 v51, v3  }
0x16e: {  	v1 =	vadd.f32 v59, v58;
	v51 =	vld [tilespmem:$0x2C40];
	v20 =	vadd.f32 v48, v47  }
0x16f: {  	v53 =	vld [tilespmem:$0x2A50];
	v5 =	vadd.f32 v50, v5;
	v3 =	vadd.f32 v56, v3  }
0x170: {  	v54 =	vld [tilespmem:$0x2C50];
	v0 =	vadd.f32 v1, v0;
	v20 =	vadd.f32 v52, v20  }
0x171: {  	v55 =	vld [tilespmem:$0x2A60];
	v1 =	vadd.f32 v61, v3;
	v3 =	vadd.f32 v46, v44  }
0x172: {  	v4 =	vadd.f32 v4, v33;
	v2 =	vadd.f32 v2, v5;
	v56 =	vld [tilespmem:$0x2C60]  }
0x173: {  	v58 =	vld [tilespmem:$0x2A70];
	v57 =	vadd.f32 v51, v49;
	v3 =	vadd.f32 v3, v20  }
0x174: {  	v59 =	vadd.f32 v6, v32;
	v60 =	vld [tilespmem:$0x2C70];
	v2 =	vadd.f32 v4, v2  }
0x175: {  	v63 =	vld [tilespmem:$0x3000];
	v18 =	vadd.f32 v54, v53;
	v3 =	vadd.f32 v57, v3  }
0x176: {  	v62 =	vadd.f32 v8, v7;
	v2 =	vadd.f32 v59, v2;
	v61 =	vld [tilespmem:$0x2E00]  }
0x177: {  	v31 =	vld [tilespmem:$0x2FE0];
	v5 =	vadd.f32 v56, v55;
	v3 =	vadd.f32 v18, v3  }
0x178: {  	v24 =	vadd.f32 v10, v9;
	v25 =	vld [tilespmem:$0x3010];
	v2 =	vadd.f32 v62, v2  }
0x179: {  	v36 =	vld [tilespmem:$0x3020];
	v28 =	vadd.f32 v60, v58;
	v3 =	vadd.f32 v5, v3  }
0x17a: {  	v33 =	vadd.f32 v12, v11;
	v32 =	vld [tilespmem:$0x2E20];
	v2 =	vadd.f32 v24, v2  }
0x17b: {  	v38 =	vld [tilespmem:$0x2E30];
	v37 =	vadd.f32 v63, v61;
	v3 =	vadd.f32 v28, v3  }
0x17c: {  	v39 =	vadd.f32 v14, v13;
	v40 =	vld [tilespmem:$0x3030];
	v2 =	vadd.f32 v33, v2  }
0x17d: {  	v42 =	vld [tilespmem:$0x2E40];
	v41 =	vadd.f32 v25, v19;
	v3 =	vadd.f32 v37, v3  }
0x17e: {  	v43 =	vadd.f32 v16, v15;
	v44 =	vld [tilespmem:$0x3040];
	v2 =	vadd.f32 v39, v2  }
0x17f: {  	v48 =	vld [tilespmem:$0x3050];
	v45 =	vadd.f32 v36, v32;
	v3 =	vadd.f32 v41, v3  }
0x180: {  	v47 =	vadd.f32 v21, v17;
	v46 =	vld [tilespmem:$0x2E50];
	v2 =	vadd.f32 v43, v2  }
0x181: {  	v50 =	vld [tilespmem:$0x2E60];
	v49 =	vadd.f32 v40, v38;
	v3 =	vadd.f32 v45, v3  }
0x182: {  	v52 =	vld [tilespmem:$0x3060];
	v51 =	vadd.f32 v26, v23;
	v2 =	vadd.f32 v47, v2  }
0x183: {  	v54 =	vld [tilespmem:$0x2E70];
	v53 =	vadd.f32 v44, v42;
	v3 =	vadd.f32 v49, v3  }
0x184: {  	v55 =	vadd.f32 v29, v27;
	v56 =	vld [tilespmem:$0x3070];
	v2 =	vadd.f32 v51, v2  }
0x185: {  	v57 =	vadd.f32 v48, v46;
	v3 =	vadd.f32 v53, v3  }
0x186: {  	v58 =	vadd.f32 v31, v30;
	v2 =	vadd.f32 v55, v2  }
0x187: {  	v59 =	vadd.f32 v52, v50;
	v3 =	vadd.f32 v57, v3  }
0x188: {  	v60 =	vadd.f32 v35, v34;
	v2 =	vadd.f32 v58, v2  }
0x189: {  	v61 =	vadd.f32 v56, v54;
	v3 =	vadd.f32 v59, v3  }
0x18a: {  	[tilespmem:$0x3080] =	vst v0;
	v62 =	vadd.f32 v60, v2  }
0x18b: {  	[tilespmem:$0x3100] =	vst v1;
	v63 =	vadd.f32 v61, v3  }
0x18c: {  	s28 =	sshll.u32 s1, $0x6;
	s29 =	simm.s32 $0x0;
	[tilespmem:$0x3180] =	vst v62  }
0x18d: {  	s30 =	simm.s32 $0x3080;
	s31 =	simm.s32 $0x2;
	s2 =	sadd.s32 s2, s28;
	[tilespmem:$0x3200] =	vst v63  }
0x18e: {  	[hbm4b:s2+s29] =	stream.linear.scatter [tilespmem:s30], [sflag:$0x2], $0x200, $0x38;
	[tilespmem:$0x3280] =	vst v63  }
0x18f: {  	_ =	swait.ge [sflag:s31], $0x200  }
0x190: {  	[sflag:s31] =	ssyncset.done $0x0  }
0x191: {  	[sflag:s31] =	ssyncadd.s32 $0xFFFFFE00  }
0x192: {  	_ =	sfence.sel $0x180000  }
0x193: {  	[bflag:$0x0] =	sbarrier.arrive $0xFFFF  }
0x194: {  	p0 =	sne.s32 s1, $0x0;
	_ =	strace $0x90000047  }
0x195: {  	s0 =	sadd.s32 @!p0 $0x100000, s0;
	[bflag:$0x2] =	sbarrier.arrive $0xFFFF  }
0x196: {  	[sflag:s0] =	ssyncadd.tile.s32 @!p0 $0x1;
	_ =	shalt  }
.Lfunc_end2:
_tile_overlayer_lowered:
.L_overlay_start_2:
0x197: {  	(tag) =	ssettag $0x2  }
0x198: {  	s0 =	rddreg [dreg:$0x0];
	s2 =	stileid.u32  }
0x199: {  	s1 =	rddreg [dreg:$0x1];
	p0 =	sne.s32 s2, $0x0  }
0x19a: {  	s3 =	rddreg [dreg:$0x2];
	[bflag:$0x3] =	sbarrier.arrive $0xFFFF;
	s2 =	simm.s32 @!p0 $0x1C02  }
0x19b: {  	[timem:s3], [sflag:s2] =	dma.local @!p0 [hbm:s0], s1  }
0x19c: {  	s0 =	simm.s32 @!p0 $0x2  }
0x19d: {  	_ =	swait.ge @!p0 [sflag:s0], s1  }
0x19e: {  	s1 =	ssub.s32 @!p0 $0x0, s1;
	[sflag:s0] =	ssyncset.done @!p0 $0x0  }
0x19f: {  	[sflag:s0] =	ssyncadd.s32 @!p0 s1  }
0x1a0: {  	[bflag:$0x3] =	sbarrier.arrive $0xFFFF  }
0x1a1: {  	_ =	shalt  }

</sc_bundles>
